<compile_context>
chip_gen: v7x
topology: tpu7x:2x2x1
jax: 0.10.2.dev20260603
libtpu: 0.0.44.dev20260713+nightly
codegen_flags: <defaults>
</compile_context>

<pallas_src>
import functools

import jax
import jax.numpy as jnp
from jax import lax
from jax.experimental import pallas as pl
from jax.experimental.pallas import tpu as pltpu
from jax.experimental.pallas import tpu_sc as plsc

_N, _E, _D, _R = 10000, 320000, 128, 8
_EPS = 1e-5

_CHUNK = 128
_NC, _NS = 2, 16
_NW = _NC * _NS
_NCHUNKS = -(-_E // _CHUNK)
_NBUF = 2
_CPW = 80
_SLAB = _CPW // 2
_EPAD = _CPW * _NW * _CHUNK
_ACC_ROWS = 10240
_ZROWS = _ACC_ROWS // _NS

_NBLK = 2000
_NGRID = _N // _NBLK



def _pre_body(x_ref, w1_ref, b1_ref, cw_ref, cr_ref, h_ref, root_ref, y_ref):
    r = pl.program_id(1)

    @pl.when(r == 0)
    def _():
        h = jnp.dot(x_ref[...], w1_ref[...],
                    preferred_element_type=jnp.float32) + b1_ref[...]
        h_ref[...] = h
        root_ref[...] = jnp.dot(h, cr_ref[...],
                                preferred_element_type=jnp.float32)

    y_ref[0] = jnp.dot(h_ref[...], cw_ref[0],
                       preferred_element_type=jnp.float32)


def _tc_pre(x, W1, b1, conv_w, conv_root):
    return pl.pallas_call(
        _pre_body,
        grid=(_NGRID, _R),
        in_specs=[
            pl.BlockSpec((_NBLK, _D), lambda n, r: (n, 0)),
            pl.BlockSpec((_D, _D), lambda n, r: (0, 0)),
            pl.BlockSpec((1, _D), lambda n, r: (0, 0)),
            pl.BlockSpec((1, _D, _D), lambda n, r: (r, 0, 0)),
            pl.BlockSpec((_D, _D), lambda n, r: (0, 0)),
        ],
        out_specs=[
            pl.BlockSpec((_NBLK, _D), lambda n, r: (n, 0)),
            pl.BlockSpec((_NBLK, _D), lambda n, r: (n, 0)),
            pl.BlockSpec((1, _NBLK, _D), lambda n, r: (r, n, 0)),
        ],
        out_shape=[
            jax.ShapeDtypeStruct((_N, _D), jnp.float32),
            jax.ShapeDtypeStruct((_N, _D), jnp.float32),
            jax.ShapeDtypeStruct((_R, _N, _D), jnp.float32),
        ],
    )(x, W1, b1.reshape(1, _D), conv_w, conv_root)


def _mid_body(p_ref, root_ref, cb_ref, g_ref, b_ref, cr_ref, cw_ref,
              h_ref, root2_ref, y_ref):
    r = pl.program_id(0)

    @pl.when(r == 0)
    def _():
        a = p_ref[0] + p_ref[1] + root_ref[...] + cb_ref[...]
        mean = jnp.mean(a, axis=0, keepdims=True)
        var = jnp.mean((a - mean) ** 2, axis=0, keepdims=True)
        h = (a - mean) / jnp.sqrt(var + _EPS) * g_ref[...] + b_ref[...]
        h = jnp.maximum(h, 0.0)
        h_ref[...] = h
        root2_ref[...] = jnp.dot(h, cr_ref[...],
                                 preferred_element_type=jnp.float32)

    y_ref[0] = jnp.dot(h_ref[...], cw_ref[0],
                       preferred_element_type=jnp.float32)


def _tc_mid(p, root, conv_b, bn_gamma, bn_beta, conv_root, conv_w):
    return pl.pallas_call(
        _mid_body,
        grid=(_R,),
        in_specs=[
            pl.BlockSpec((_NC, _N, _D), lambda r: (0, 0, 0)),
            pl.BlockSpec((_N, _D), lambda r: (0, 0)),
            pl.BlockSpec((1, _D), lambda r: (0, 0)),
            pl.BlockSpec((1, _D), lambda r: (0, 0)),
            pl.BlockSpec((1, _D), lambda r: (0, 0)),
            pl.BlockSpec((_D, _D), lambda r: (0, 0)),
            pl.BlockSpec((1, _D, _D), lambda r: (r, 0, 0)),
        ],
        out_specs=[
            pl.BlockSpec((_N, _D), lambda r: (0, 0)),
            pl.BlockSpec((_N, _D), lambda r: (0, 0)),
            pl.BlockSpec((1, _N, _D), lambda r: (r, 0, 0)),
        ],
        out_shape=[
            jax.ShapeDtypeStruct((_N, _D), jnp.float32),
            jax.ShapeDtypeStruct((_N, _D), jnp.float32),
            jax.ShapeDtypeStruct((_R, _N, _D), jnp.float32),
        ],
    )(p, root, conv_b.reshape(1, _D), bn_gamma.reshape(1, _D),
      bn_beta.reshape(1, _D), conv_root, conv_w)


def _fin_body(p_ref, root_ref, cb_ref, g_ref, b_ref, w2_ref, b2_ref,
              wo_ref, bo_ref, out_ref):
    a = p_ref[0] + p_ref[1] + root_ref[...] + cb_ref[...]
    mean = jnp.mean(a, axis=0, keepdims=True)
    var = jnp.mean((a - mean) ** 2, axis=0, keepdims=True)
    h = (a - mean) / jnp.sqrt(var + _EPS) * g_ref[...] + b_ref[...]
    h = jnp.maximum(h, 0.0)
    h = jnp.dot(h, w2_ref[...], preferred_element_type=jnp.float32) + b2_ref[...]
    o = jnp.dot(h, wo_ref[...], preferred_element_type=jnp.float32) + bo_ref[...]
    out_ref[...] = jax.nn.sigmoid(o)


def _tc_fin(p, root, conv_b, bn_gamma, bn_beta, W2, b2, WO, bO):
    return pl.pallas_call(
        _fin_body,
        grid=(1,),
        in_specs=[
            pl.BlockSpec((_NC, _N, _D), lambda i: (0, 0, 0)),
            pl.BlockSpec((_N, _D), lambda i: (0, 0)),
            pl.BlockSpec((1, _D), lambda i: (0, 0)),
            pl.BlockSpec((1, _D), lambda i: (0, 0)),
            pl.BlockSpec((1, _D), lambda i: (0, 0)),
            pl.BlockSpec((_D, _D), lambda i: (0, 0)),
            pl.BlockSpec((1, _D), lambda i: (0, 0)),
            pl.BlockSpec((_D, 1), lambda i: (0, 0)),
            pl.BlockSpec((1, 1), lambda i: (0, 0)),
        ],
        out_specs=pl.BlockSpec((_N, 1), lambda i: (0, 0)),
        out_shape=jax.ShapeDtypeStruct((_N, 1), jnp.float32),
    )(p, root, conv_b.reshape(1, _D), bn_gamma.reshape(1, _D),
      bn_beta.reshape(1, _D), W2, b2.reshape(1, _D), WO, bO.reshape(1, 1))



def _sc_edge_pass(y_flat, gi3, di3, zrows):
    mesh = plsc.VectorSubcoreMesh(core_axis_name="c", subcore_axis_name="s")

    @functools.partial(
        pl.kernel,
        mesh=mesh,
        out_type=jax.ShapeDtypeStruct((_NC, _ACC_ROWS, _D), jnp.float32),
        scratch_types=[
            pltpu.VMEM((_CPW, _CHUNK), jnp.int32),
            pltpu.VMEM((_CPW, _CHUNK), jnp.int32),
            pltpu.VMEM((_CHUNK, _D), jnp.float32),
            pltpu.VMEM_SHARED((_ACC_ROWS, _D), jnp.float32),
            pltpu.SemaphoreType.DMA,
        ],
    )
    def k(y_hbm, gi_hbm, di_hbm, z_hbm, out_hbm, gi_v, di_v, buf, acc, sem):
        c = lax.axis_index("c")
        s = lax.axis_index("s")
        wid = s * _NC + c
        pltpu.sync_copy(z_hbm, acc.at[pl.ds(s * _ZROWS, _ZROWS)])
        plsc.subcore_barrier()

        pltpu.sync_copy(gi_hbm.at[wid], gi_v)
        pltpu.sync_copy(di_hbm.at[wid], di_v)

        @pl.loop(0, _CPW)
        def _(ci):
            pltpu.sync_copy(y_hbm.at[gi_v.at[ci]], buf)
            pltpu.sync_copy(buf, acc.at[di_v.at[ci]], add=True)

        plsc.subcore_barrier()
        pltpu.sync_copy(acc.at[pl.ds(s * _ZROWS, _ZROWS)],
                        out_hbm.at[c, pl.ds(s * _ZROWS, _ZROWS)])

    return k(y_flat, gi3, di3, zrows)



def kernel(x, edge_index, edge_type, W1, b1, conv_w, conv_root, conv_b,
           bn_gamma, bn_beta, W2, b2, WO, bO):
    src = edge_index[0]
    dst = edge_index[1]
    gidx = edge_type * _N + src
    pad = _EPAD - _E
    gidx_p = jnp.concatenate([gidx, jnp.zeros((pad,), jnp.int32)])
    dummy = _N + (jnp.arange(pad, dtype=jnp.int32) % (_ACC_ROWS - _N))
    dst_p = jnp.concatenate([dst, dummy])
    gi3 = gidx_p.reshape(_NW, _CPW, _CHUNK)
    di3 = dst_p.reshape(_NW, _CPW, _CHUNK)
    zrows = jnp.zeros((_ZROWS, _D), jnp.float32)

    h1, root1, y1 = _tc_pre(x, W1, b1, conv_w, conv_root)
    p1 = _sc_edge_pass(y1.reshape(_R * _N, _D), gi3, di3, zrows)
    h2, root2, y2 = _tc_mid(p1, root1, conv_b, bn_gamma, bn_beta,
                            conv_root, conv_w)
    p2 = _sc_edge_pass(y2.reshape(_R * _N, _D), gi3, di3, zrows)
    return _tc_fin(p2, root2, conv_b, bn_gamma, bn_beta, W2, b2, WO, bO)

# --- scband reference (transcript-rebuilt; emitter-appended) ---
"""Pipeline reference for scband-rgcn-model-29540785062551 (READ-ONLY COPY).

The authoritative reference and input builder live on the scoring server;
editing this copy changes nothing except your own understanding.
"""

import jax, jax.numpy as jnp
import numpy as np

N = 10000
E = 320000
D = 128
R = 8
EPS = 1e-5


def _glorot(key, shape):
    fan_in, fan_out = shape[-2], shape[-1]
    scale = np.sqrt(2.0 / (fan_in + fan_out))
    return jax.random.normal(key, shape, jnp.float32) * scale


def setup_inputs(seed: int = 0):
    key = jax.random.key(seed)
    ks = jax.random.split(key, 12)
    x = jax.random.normal(ks[0], (N, D), jnp.float32)
    edge_index = jax.random.randint(ks[1], (2, E), 0, N, jnp.int32)
    edge_type = jax.random.randint(ks[2], (E,), 0, R, jnp.int32)
    W1 = _glorot(ks[3], (D, D))
    b1 = jnp.zeros((D,), jnp.float32)
    conv_w = _glorot(ks[4], (R, D, D))
    conv_root = _glorot(ks[5], (D, D))
    conv_b = jnp.zeros((D,), jnp.float32)
    bn_gamma = jnp.ones((D,), jnp.float32)
    bn_beta = jnp.zeros((D,), jnp.float32)
    W2 = _glorot(ks[6], (D, D))
    b2 = jnp.zeros((D,), jnp.float32)
    WO = _glorot(ks[7], (D, 1))
    bO = jnp.zeros((1,), jnp.float32)
    return {"x": x, "edge_index": edge_index, "edge_type": edge_type,
            "W1": W1, "b1": b1, "conv_w": conv_w, "conv_root": conv_root,
            "conv_b": conv_b, "bn_gamma": bn_gamma, "bn_beta": bn_beta,
            "W2": W2, "b2": b2, "WO": WO, "bO": bO}


def _rgcn_conv(x, edge_index, edge_type, conv_w, conv_root, conv_b):
    src = edge_index[0]
    dst = edge_index[1]
    msgs = jnp.take(x, src, axis=0)  # [E, D] gather of source-node features
    out = jnp.zeros((x.shape[0], conv_w.shape[2]), x.dtype)
    for i in range(R):
        mask = (edge_type == i).astype(x.dtype)[:, None]
        # scatter-add messages of relation i to destination nodes
        h = jnp.zeros((x.shape[0], x.shape[1]), x.dtype).at[dst].add(msgs * mask)
        out = out + h @ conv_w[i]
    out = out + x @ conv_root + conv_b
    return out


def _batch_norm(x, gamma, beta):
    mean = jnp.mean(x, axis=0)
    var = jnp.var(x, axis=0)
    return (x - mean) / jnp.sqrt(var + EPS) * gamma + beta


def reference(x, edge_index, edge_type, W1, b1, conv_w, conv_root, conv_b,
              bn_gamma, bn_beta, W2, b2, WO, bO):
    h = x @ W1 + b1
    h = _rgcn_conv(h, edge_index, edge_type, conv_w, conv_root, conv_b)
    h = _batch_norm(h, bn_gamma, bn_beta)
    h = jax.nn.relu(h)
    h = _rgcn_conv(h, edge_index, edge_type, conv_w, conv_root, conv_b)
    h = _batch_norm(h, bn_gamma, bn_beta)
    h = jax.nn.relu(h)
    h = h @ W2 + b2
    h = h @ WO + bO
    return jax.nn.sigmoid(h)

if __name__ == "__main__":
    import jax
    _d = setup_inputs()
    print(jax.jit(kernel)(*tuple(_d.values())))

</pallas_src>

<mosaic_0001>
#map = affine_map<(d0, d1) -> (0, 0)>
#map1 = affine_map<(d0, d1) -> (0, 0, 0)>
module attributes {stable_mosaic.version = 14 : i64} {
  func.func @k(%arg0: i32, %arg1: i32, %arg2: memref<80000x128xf32, #tpu.memory_space<hbm>>, %arg3: memref<32x80x128xi32, #tpu.memory_space<hbm>>, %arg4: memref<32x80x128xi32, #tpu.memory_space<hbm>>, %arg5: memref<640x128xf32, #tpu.memory_space<hbm>>, %arg6: memref<2x10240x128xf32, #tpu.memory_space<hbm>>, %arg7: memref<80x128xi32, #tpu.memory_space<vmem>>, %arg8: memref<80x128xi32, #tpu.memory_space<vmem>>, %arg9: memref<128x128xf32, #tpu.memory_space<vmem>>, %arg10: memref<10240x128xf32, #tpu.memory_space<vmem_shared>>, %arg11: memref<!tpu.dma_semaphore, #tpu.memory_space<semaphore_mem>>) attributes {dimension_semantics = [#tpu.dimension_semantics<core_parallel>, #tpu.dimension_semantics<subcore_parallel>], iteration_bounds = array<i64: 2, 16>, scalar_prefetch = 0 : i64, scratch_operands = 5 : i64, tpu.core_type = #tpu.core_type<sc_vector_subcore>, window_params = [{transform_indices = #map}, {transform_indices = #map1}, {transform_indices = #map1}, {transform_indices = #map}, {transform_indices = #map1}]} {
    %mul3A = arith.constant 2 : i32
    %mul3A_0 = arith.muli %arg1, %mul3A : i32
    %add3A = arith.addi %mul3A_0, %arg0 : i32
    %mul3A_1 = arith.constant 640 : i32
    %mul3A_2 = arith.muli %arg1, %mul3A_1 : i32
    "tpu.region"() ({
      %run_scoped3A = tpu.sem_alloc : memref<!tpu.dma_semaphore, #tpu.memory_space<semaphore_mem>>
      %dma_start3A = arith.constant 0 : i32
      %dma_start3A_12 = tpu.memref_slice %arg10[%mul3A_2, %dma_start3A] : memref<10240x128xf32, #tpu.memory_space<vmem_shared>> -> memref<640x128xf32, #tpu.memory_space<vmem_shared>>
      tpu.enqueue_dma source(%arg5 : memref<640x128xf32, #tpu.memory_space<hbm>>) target(%dma_start3A_12 : memref<640x128xf32, #tpu.memory_space<vmem_shared>>) target_semaphore(%run_scoped3A : memref<!tpu.dma_semaphore, #tpu.memory_space<semaphore_mem>>)
      %dma_wait3A = arith.constant 0 : i32
      %dma_wait3A_13 = tpu.memref_slice %arg10[%mul3A_2, %dma_wait3A] : memref<10240x128xf32, #tpu.memory_space<vmem_shared>> -> memref<640x128xf32, #tpu.memory_space<vmem_shared>>
      tpu.wait_dma2 semaphore(%run_scoped3A : memref<!tpu.dma_semaphore, #tpu.memory_space<semaphore_mem>>) src(%arg5 : memref<640x128xf32, #tpu.memory_space<hbm>>) dst(%dma_wait3A_13 : memref<640x128xf32, #tpu.memory_space<vmem_shared>>)
      tpu.yield
    }) : () -> ()
    %barrier3A = arith.constant 0 : index
    tpu.barrier barrier_id(%barrier3A)
    "tpu.region"() ({
      %run_scoped3A = tpu.sem_alloc : memref<!tpu.dma_semaphore, #tpu.memory_space<semaphore_mem>>
      %dma_start3A = arith.constant 0 : i32
      %dma_start3A_12 = arith.constant 0 : i32
      %dma_start3A_13 = tpu.memref_slice %arg3[%add3A, %dma_start3A, %dma_start3A_12] : memref<32x80x128xi32, #tpu.memory_space<hbm>> -> memref<1x80x128xi32, #tpu.memory_space<hbm>>
      %dma_start3A_14 = tpu.memref_squeeze %dma_start3A_13 : memref<1x80x128xi32, #tpu.memory_space<hbm>> -> memref<80x128xi32, #tpu.memory_space<hbm>>
      %dma_start3A_15 = arith.constant 0 : i32
      %dma_start3A_16 = arith.constant 0 : i32
      %dma_start3A_17 = tpu.memref_slice %arg3[%add3A, %dma_start3A_15, %dma_start3A_16] : memref<32x80x128xi32, #tpu.memory_space<hbm>> -> memref<1x80x128xi32, #tpu.memory_space<hbm>>
      %dma_start3A_18 = tpu.memref_squeeze %dma_start3A_17 : memref<1x80x128xi32, #tpu.memory_space<hbm>> -> memref<80x128xi32, #tpu.memory_space<hbm>>
      tpu.enqueue_dma source(%dma_start3A_18 : memref<80x128xi32, #tpu.memory_space<hbm>>) target(%arg7 : memref<80x128xi32, #tpu.memory_space<vmem>>) target_semaphore(%run_scoped3A : memref<!tpu.dma_semaphore, #tpu.memory_space<semaphore_mem>>)
      %dma_wait3A = arith.constant 0 : i32
      %dma_wait3A_19 = arith.constant 0 : i32
      %dma_wait3A_20 = tpu.memref_slice %arg3[%add3A, %dma_wait3A, %dma_wait3A_19] : memref<32x80x128xi32, #tpu.memory_space<hbm>> -> memref<1x80x128xi32, #tpu.memory_space<hbm>>
      %dma_wait3A_21 = tpu.memref_squeeze %dma_wait3A_20 : memref<1x80x128xi32, #tpu.memory_space<hbm>> -> memref<80x128xi32, #tpu.memory_space<hbm>>
      %dma_wait3A_22 = arith.constant 0 : i32
      %dma_wait3A_23 = arith.constant 0 : i32
      %dma_wait3A_24 = tpu.memref_slice %arg3[%add3A, %dma_wait3A_22, %dma_wait3A_23] : memref<32x80x128xi32, #tpu.memory_space<hbm>> -> memref<1x80x128xi32, #tpu.memory_space<hbm>>
      %dma_wait3A_25 = tpu.memref_squeeze %dma_wait3A_24 : memref<1x80x128xi32, #tpu.memory_space<hbm>> -> memref<80x128xi32, #tpu.memory_space<hbm>>
      tpu.wait_dma2 semaphore(%run_scoped3A : memref<!tpu.dma_semaphore, #tpu.memory_space<semaphore_mem>>) src(%dma_wait3A_25 : memref<80x128xi32, #tpu.memory_space<hbm>>) dst(%arg7 : memref<80x128xi32, #tpu.memory_space<vmem>>)
      tpu.yield
    }) : () -> ()
    "tpu.region"() ({
      %run_scoped3A = tpu.sem_alloc : memref<!tpu.dma_semaphore, #tpu.memory_space<semaphore_mem>>
      %dma_start3A = arith.constant 0 : i32
      %dma_start3A_12 = arith.constant 0 : i32
      %dma_start3A_13 = tpu.memref_slice %arg4[%add3A, %dma_start3A, %dma_start3A_12] : memref<32x80x128xi32, #tpu.memory_space<hbm>> -> memref<1x80x128xi32, #tpu.memory_space<hbm>>
      %dma_start3A_14 = tpu.memref_squeeze %dma_start3A_13 : memref<1x80x128xi32, #tpu.memory_space<hbm>> -> memref<80x128xi32, #tpu.memory_space<hbm>>
      %dma_start3A_15 = arith.constant 0 : i32
      %dma_start3A_16 = arith.constant 0 : i32
      %dma_start3A_17 = tpu.memref_slice %arg4[%add3A, %dma_start3A_15, %dma_start3A_16] : memref<32x80x128xi32, #tpu.memory_space<hbm>> -> memref<1x80x128xi32, #tpu.memory_space<hbm>>
      %dma_start3A_18 = tpu.memref_squeeze %dma_start3A_17 : memref<1x80x128xi32, #tpu.memory_space<hbm>> -> memref<80x128xi32, #tpu.memory_space<hbm>>
      tpu.enqueue_dma source(%dma_start3A_18 : memref<80x128xi32, #tpu.memory_space<hbm>>) target(%arg8 : memref<80x128xi32, #tpu.memory_space<vmem>>) target_semaphore(%run_scoped3A : memref<!tpu.dma_semaphore, #tpu.memory_space<semaphore_mem>>)
      %dma_wait3A = arith.constant 0 : i32
      %dma_wait3A_19 = arith.constant 0 : i32
      %dma_wait3A_20 = tpu.memref_slice %arg4[%add3A, %dma_wait3A, %dma_wait3A_19] : memref<32x80x128xi32, #tpu.memory_space<hbm>> -> memref<1x80x128xi32, #tpu.memory_space<hbm>>
      %dma_wait3A_21 = tpu.memref_squeeze %dma_wait3A_20 : memref<1x80x128xi32, #tpu.memory_space<hbm>> -> memref<80x128xi32, #tpu.memory_space<hbm>>
      %dma_wait3A_22 = arith.constant 0 : i32
      %dma_wait3A_23 = arith.constant 0 : i32
      %dma_wait3A_24 = tpu.memref_slice %arg4[%add3A, %dma_wait3A_22, %dma_wait3A_23] : memref<32x80x128xi32, #tpu.memory_space<hbm>> -> memref<1x80x128xi32, #tpu.memory_space<hbm>>
      %dma_wait3A_25 = tpu.memref_squeeze %dma_wait3A_24 : memref<1x80x128xi32, #tpu.memory_space<hbm>> -> memref<80x128xi32, #tpu.memory_space<hbm>>
      tpu.wait_dma2 semaphore(%run_scoped3A : memref<!tpu.dma_semaphore, #tpu.memory_space<semaphore_mem>>) src(%dma_wait3A_25 : memref<80x128xi32, #tpu.memory_space<hbm>>) dst(%arg8 : memref<80x128xi32, #tpu.memory_space<vmem>>)
      tpu.yield
    }) : () -> ()
    %scan3A = arith.constant 0 : i32
    %scan3A_3 = arith.constant 80 : i32
    %scan3A_4 = arith.addi %scan3A, %scan3A_3 : i32
    %scan3A_5 = arith.constant 1 : i32
    scf.for %scan3A_12 = %scan3A to %scan3A_4 step %scan3A_5  : i32 {
      %mul3A_13 = arith.constant 1 : i32
      %mul3A_14 = arith.muli %scan3A_12, %mul3A_13 : i32
      %add3A_15 = arith.constant 0 : i32
      %add3A_16 = arith.addi %add3A_15, %mul3A_14 : i32
      "tpu.region"() ({
        %run_scoped3A = tpu.sem_alloc : memref<!tpu.dma_semaphore, #tpu.memory_space<semaphore_mem>>
        %dma_start3A = arith.constant 0 : i32
        %dma_start3A_17 = tpu.memref_slice %arg7[%add3A_16, %dma_start3A] : memref<80x128xi32, #tpu.memory_space<vmem>> -> memref<1x128xi32, #tpu.memory_space<vmem>>
        %dma_start3A_18 = tpu.memref_squeeze %dma_start3A_17 : memref<1x128xi32, #tpu.memory_space<vmem>> -> memref<128xi32, #tpu.memory_space<vmem>>
        %dma_start3A_19 = arith.constant 0 : i32
        %dma_start3A_20 = arith.constant 0 : i32
        %dma_start3A_21 = tpu.memref_slice %arg2[%dma_start3A_19, %dma_start3A_20] : memref<80000x128xf32, #tpu.memory_space<hbm>> -> memref<80000x128xf32, #tpu.memory_space<hbm>>
        tpu.enqueue_indirect_dma source(%dma_start3A_21 : memref<80000x128xf32, #tpu.memory_space<hbm>>) target(%arg9 : memref<128x128xf32, #tpu.memory_space<vmem>>) offsets(%dma_start3A_18 : memref<128xi32, #tpu.memory_space<vmem>>) semaphore(%run_scoped3A : memref<!tpu.dma_semaphore, #tpu.memory_space<semaphore_mem>>)
        %dma_wait3A = arith.constant 0 : i32
        %dma_wait3A_22 = tpu.memref_slice %arg7[%add3A_16, %dma_wait3A] : memref<80x128xi32, #tpu.memory_space<vmem>> -> memref<1x128xi32, #tpu.memory_space<vmem>>
        %dma_wait3A_23 = tpu.memref_squeeze %dma_wait3A_22 : memref<1x128xi32, #tpu.memory_space<vmem>> -> memref<128xi32, #tpu.memory_space<vmem>>
        %dma_wait3A_24 = arith.constant 0 : i32
        %dma_wait3A_25 = arith.constant 0 : i32
        %dma_wait3A_26 = tpu.memref_slice %arg2[%dma_wait3A_24, %dma_wait3A_25] : memref<80000x128xf32, #tpu.memory_space<hbm>> -> memref<80000x128xf32, #tpu.memory_space<hbm>>
        tpu.wait_indirect_dma semaphore(%run_scoped3A : memref<!tpu.dma_semaphore, #tpu.memory_space<semaphore_mem>>) src(%dma_wait3A_26 : memref<80000x128xf32, #tpu.memory_space<hbm>>) dst(%arg9 : memref<128x128xf32, #tpu.memory_space<vmem>>)
        tpu.yield
      }) : () -> ()
      "tpu.region"() ({
        %run_scoped3A = tpu.sem_alloc : memref<!tpu.dma_semaphore, #tpu.memory_space<semaphore_mem>>
        %dma_start3A = arith.constant 0 : i32
        %dma_start3A_17 = tpu.memref_slice %arg8[%add3A_16, %dma_start3A] : memref<80x128xi32, #tpu.memory_space<vmem>> -> memref<1x128xi32, #tpu.memory_space<vmem>>
        %dma_start3A_18 = tpu.memref_squeeze %dma_start3A_17 : memref<1x128xi32, #tpu.memory_space<vmem>> -> memref<128xi32, #tpu.memory_space<vmem>>
        %dma_start3A_19 = arith.constant 0 : i32
        %dma_start3A_20 = arith.constant 0 : i32
        %dma_start3A_21 = tpu.memref_slice %arg10[%dma_start3A_19, %dma_start3A_20] : memref<10240x128xf32, #tpu.memory_space<vmem_shared>> -> memref<10240x128xf32, #tpu.memory_space<vmem_shared>>
        tpu.enqueue_indirect_dma source(%arg9 : memref<128x128xf32, #tpu.memory_space<vmem>>) target(%dma_start3A_21 : memref<10240x128xf32, #tpu.memory_space<vmem_shared>>) offsets(%dma_start3A_18 : memref<128xi32, #tpu.memory_space<vmem>>) semaphore(%run_scoped3A : memref<!tpu.dma_semaphore, #tpu.memory_space<semaphore_mem>>) {add = true}
        %dma_wait3A = arith.constant 0 : i32
        %dma_wait3A_22 = tpu.memref_slice %arg8[%add3A_16, %dma_wait3A] : memref<80x128xi32, #tpu.memory_space<vmem>> -> memref<1x128xi32, #tpu.memory_space<vmem>>
        %dma_wait3A_23 = tpu.memref_squeeze %dma_wait3A_22 : memref<1x128xi32, #tpu.memory_space<vmem>> -> memref<128xi32, #tpu.memory_space<vmem>>
        %dma_wait3A_24 = arith.constant 0 : i32
        %dma_wait3A_25 = arith.constant 0 : i32
        %dma_wait3A_26 = tpu.memref_slice %arg10[%dma_wait3A_24, %dma_wait3A_25] : memref<10240x128xf32, #tpu.memory_space<vmem_shared>> -> memref<10240x128xf32, #tpu.memory_space<vmem_shared>>
        tpu.wait_indirect_dma semaphore(%run_scoped3A : memref<!tpu.dma_semaphore, #tpu.memory_space<semaphore_mem>>) src(%arg9 : memref<128x128xf32, #tpu.memory_space<vmem>>) dst(%dma_wait3A_26 : memref<10240x128xf32, #tpu.memory_space<vmem_shared>>)
        tpu.yield
      }) : () -> ()
    }
    %scan3A_6 = arith.constant 80 : i32
    %barrier3A_7 = arith.constant 0 : index
    tpu.barrier barrier_id(%barrier3A_7)
    %mul3A_8 = arith.constant 640 : i32
    %mul3A_9 = arith.muli %arg1, %mul3A_8 : i32
    %mul3A_10 = arith.constant 640 : i32
    %mul3A_11 = arith.muli %arg1, %mul3A_10 : i32
    "tpu.region"() ({
      %run_scoped3A = tpu.sem_alloc : memref<!tpu.dma_semaphore, #tpu.memory_space<semaphore_mem>>
      %dma_start3A = arith.constant 0 : i32
      %dma_start3A_12 = tpu.memref_slice %arg6[%arg0, %mul3A_11, %dma_start3A] : memref<2x10240x128xf32, #tpu.memory_space<hbm>> -> memref<1x640x128xf32, #tpu.memory_space<hbm>>
      %dma_start3A_13 = tpu.memref_squeeze %dma_start3A_12 : memref<1x640x128xf32, #tpu.memory_space<hbm>> -> memref<640x128xf32, #tpu.memory_space<hbm>>
      %dma_start3A_14 = arith.constant 0 : i32
      %dma_start3A_15 = tpu.memref_slice %arg10[%mul3A_9, %dma_start3A_14] : memref<10240x128xf32, #tpu.memory_space<vmem_shared>> -> memref<640x128xf32, #tpu.memory_space<vmem_shared>>
      tpu.enqueue_dma source(%dma_start3A_15 : memref<640x128xf32, #tpu.memory_space<vmem_shared>>) target(%dma_start3A_13 : memref<640x128xf32, #tpu.memory_space<hbm>>) target_semaphore(%run_scoped3A : memref<!tpu.dma_semaphore, #tpu.memory_space<semaphore_mem>>)
      %dma_wait3A = arith.constant 0 : i32
      %dma_wait3A_16 = tpu.memref_slice %arg6[%arg0, %mul3A_11, %dma_wait3A] : memref<2x10240x128xf32, #tpu.memory_space<hbm>> -> memref<1x640x128xf32, #tpu.memory_space<hbm>>
      %dma_wait3A_17 = tpu.memref_squeeze %dma_wait3A_16 : memref<1x640x128xf32, #tpu.memory_space<hbm>> -> memref<640x128xf32, #tpu.memory_space<hbm>>
      %dma_wait3A_18 = arith.constant 0 : i32
      %dma_wait3A_19 = tpu.memref_slice %arg10[%mul3A_9, %dma_wait3A_18] : memref<10240x128xf32, #tpu.memory_space<vmem_shared>> -> memref<640x128xf32, #tpu.memory_space<vmem_shared>>
      tpu.wait_dma2 semaphore(%run_scoped3A : memref<!tpu.dma_semaphore, #tpu.memory_space<semaphore_mem>>) src(%dma_wait3A_19 : memref<640x128xf32, #tpu.memory_space<vmem_shared>>) dst(%dma_wait3A_17 : memref<640x128xf32, #tpu.memory_space<hbm>>)
      tpu.yield
    }) : () -> ()
    return
  }
}

#map = affine_map<(d0, d1) -> (0, 0)>
#map1 = affine_map<(d0, d1) -> (0, 0, 0)>
module attributes {stable_mosaic.version = 14 : i64} {
  func.func @k(%arg0: i32, %arg1: i32, %arg2: memref<80000x128xf32, #tpu.memory_space<hbm>>, %arg3: memref<32x80x128xi32, #tpu.memory_space<hbm>>, %arg4: memref<32x80x128xi32, #tpu.memory_space<hbm>>, %arg5: memref<640x128xf32, #tpu.memory_space<hbm>>, %arg6: memref<2x10240x128xf32, #tpu.memory_space<hbm>>, %arg7: memref<80x128xi32, #tpu.memory_space<vmem>>, %arg8: memref<80x128xi32, #tpu.memory_space<vmem>>, %arg9: memref<128x128xf32, #tpu.memory_space<vmem>>, %arg10: memref<10240x128xf32, #tpu.memory_space<vmem_shared>>, %arg11: memref<!tpu.dma_semaphore, #tpu.memory_space<semaphore_mem>>) attributes {dimension_semantics = [#tpu.dimension_semantics<core_parallel>, #tpu.dimension_semantics<subcore_parallel>], iteration_bounds = array<i64: 2, 16>, scalar_prefetch = 0 : i64, scratch_operands = 5 : i64, tpu.core_type = #tpu.core_type<sc_vector_subcore>, window_params = [{transform_indices = #map}, {transform_indices = #map1}, {transform_indices = #map1}, {transform_indices = #map}, {transform_indices = #map1}]} {
    %mul3A = arith.constant 2 : i32
    %mul3A_0 = arith.muli %arg1, %mul3A : i32
    %add3A = arith.addi %mul3A_0, %arg0 : i32
    %mul3A_1 = arith.constant 640 : i32
    %mul3A_2 = arith.muli %arg1, %mul3A_1 : i32
    "tpu.region"() ({
      %run_scoped3A = tpu.sem_alloc : memref<!tpu.dma_semaphore, #tpu.memory_space<semaphore_mem>>
      %dma_start3A = arith.constant 0 : i32
      %dma_start3A_12 = tpu.memref_slice %arg10[%mul3A_2, %dma_start3A] : memref<10240x128xf32, #tpu.memory_space<vmem_shared>> -> memref<640x128xf32, #tpu.memory_space<vmem_shared>>
      tpu.enqueue_dma source(%arg5 : memref<640x128xf32, #tpu.memory_space<hbm>>) target(%dma_start3A_12 : memref<640x128xf32, #tpu.memory_space<vmem_shared>>) target_semaphore(%run_scoped3A : memref<!tpu.dma_semaphore, #tpu.memory_space<semaphore_mem>>)
      %dma_wait3A = arith.constant 0 : i32
      %dma_wait3A_13 = tpu.memref_slice %arg10[%mul3A_2, %dma_wait3A] : memref<10240x128xf32, #tpu.memory_space<vmem_shared>> -> memref<640x128xf32, #tpu.memory_space<vmem_shared>>
      tpu.wait_dma2 semaphore(%run_scoped3A : memref<!tpu.dma_semaphore, #tpu.memory_space<semaphore_mem>>) src(%arg5 : memref<640x128xf32, #tpu.memory_space<hbm>>) dst(%dma_wait3A_13 : memref<640x128xf32, #tpu.memory_space<vmem_shared>>)
      tpu.yield
    }) : () -> ()
    %barrier3A = arith.constant 0 : index
    tpu.barrier barrier_id(%barrier3A)
    "tpu.region"() ({
      %run_scoped3A = tpu.sem_alloc : memref<!tpu.dma_semaphore, #tpu.memory_space<semaphore_mem>>
      %dma_start3A = arith.constant 0 : i32
      %dma_start3A_12 = arith.constant 0 : i32
      %dma_start3A_13 = tpu.memref_slice %arg3[%add3A, %dma_start3A, %dma_start3A_12] : memref<32x80x128xi32, #tpu.memory_space<hbm>> -> memref<1x80x128xi32, #tpu.memory_space<hbm>>
      %dma_start3A_14 = tpu.memref_squeeze %dma_start3A_13 : memref<1x80x128xi32, #tpu.memory_space<hbm>> -> memref<80x128xi32, #tpu.memory_space<hbm>>
      %dma_start3A_15 = arith.constant 0 : i32
      %dma_start3A_16 = arith.constant 0 : i32
      %dma_start3A_17 = tpu.memref_slice %arg3[%add3A, %dma_start3A_15, %dma_start3A_16] : memref<32x80x128xi32, #tpu.memory_space<hbm>> -> memref<1x80x128xi32, #tpu.memory_space<hbm>>
      %dma_start3A_18 = tpu.memref_squeeze %dma_start3A_17 : memref<1x80x128xi32, #tpu.memory_space<hbm>> -> memref<80x128xi32, #tpu.memory_space<hbm>>
      tpu.enqueue_dma source(%dma_start3A_18 : memref<80x128xi32, #tpu.memory_space<hbm>>) target(%arg7 : memref<80x128xi32, #tpu.memory_space<vmem>>) target_semaphore(%run_scoped3A : memref<!tpu.dma_semaphore, #tpu.memory_space<semaphore_mem>>)
      %dma_wait3A = arith.constant 0 : i32
      %dma_wait3A_19 = arith.constant 0 : i32
      %dma_wait3A_20 = tpu.memref_slice %arg3[%add3A, %dma_wait3A, %dma_wait3A_19] : memref<32x80x128xi32, #tpu.memory_space<hbm>> -> memref<1x80x128xi32, #tpu.memory_space<hbm>>
      %dma_wait3A_21 = tpu.memref_squeeze %dma_wait3A_20 : memref<1x80x128xi32, #tpu.memory_space<hbm>> -> memref<80x128xi32, #tpu.memory_space<hbm>>
      %dma_wait3A_22 = arith.constant 0 : i32
      %dma_wait3A_23 = arith.constant 0 : i32
      %dma_wait3A_24 = tpu.memref_slice %arg3[%add3A, %dma_wait3A_22, %dma_wait3A_23] : memref<32x80x128xi32, #tpu.memory_space<hbm>> -> memref<1x80x128xi32, #tpu.memory_space<hbm>>
      %dma_wait3A_25 = tpu.memref_squeeze %dma_wait3A_24 : memref<1x80x128xi32, #tpu.memory_space<hbm>> -> memref<80x128xi32, #tpu.memory_space<hbm>>
      tpu.wait_dma2 semaphore(%run_scoped3A : memref<!tpu.dma_semaphore, #tpu.memory_space<semaphore_mem>>) src(%dma_wait3A_25 : memref<80x128xi32, #tpu.memory_space<hbm>>) dst(%arg7 : memref<80x128xi32, #tpu.memory_space<vmem>>)
      tpu.yield
    }) : () -> ()
    "tpu.region"() ({
      %run_scoped3A = tpu.sem_alloc : memref<!tpu.dma_semaphore, #tpu.memory_space<semaphore_mem>>
      %dma_start3A = arith.constant 0 : i32
      %dma_start3A_12 = arith.constant 0 : i32
      %dma_start3A_13 = tpu.memref_slice %arg4[%add3A, %dma_start3A, %dma_start3A_12] : memref<32x80x128xi32, #tpu.memory_space<hbm>> -> memref<1x80x128xi32, #tpu.memory_space<hbm>>
      %dma_start3A_14 = tpu.memref_squeeze %dma_start3A_13 : memref<1x80x128xi32, #tpu.memory_space<hbm>> -> memref<80x128xi32, #tpu.memory_space<hbm>>
      %dma_start3A_15 = arith.constant 0 : i32
      %dma_start3A_16 = arith.constant 0 : i32
      %dma_start3A_17 = tpu.memref_slice %arg4[%add3A, %dma_start3A_15, %dma_start3A_16] : memref<32x80x128xi32, #tpu.memory_space<hbm>> -> memref<1x80x128xi32, #tpu.memory_space<hbm>>
      %dma_start3A_18 = tpu.memref_squeeze %dma_start3A_17 : memref<1x80x128xi32, #tpu.memory_space<hbm>> -> memref<80x128xi32, #tpu.memory_space<hbm>>
      tpu.enqueue_dma source(%dma_start3A_18 : memref<80x128xi32, #tpu.memory_space<hbm>>) target(%arg8 : memref<80x128xi32, #tpu.memory_space<vmem>>) target_semaphore(%run_scoped3A : memref<!tpu.dma_semaphore, #tpu.memory_space<semaphore_mem>>)
      %dma_wait3A = arith.constant 0 : i32
      %dma_wait3A_19 = arith.constant 0 : i32
      %dma_wait3A_20 = tpu.memref_slice %arg4[%add3A, %dma_wait3A, %dma_wait3A_19] : memref<32x80x128xi32, #tpu.memory_space<hbm>> -> memref<1x80x128xi32, #tpu.memory_space<hbm>>
      %dma_wait3A_21 = tpu.memref_squeeze %dma_wait3A_20 : memref<1x80x128xi32, #tpu.memory_space<hbm>> -> memref<80x128xi32, #tpu.memory_space<hbm>>
      %dma_wait3A_22 = arith.constant 0 : i32
      %dma_wait3A_23 = arith.constant 0 : i32
      %dma_wait3A_24 = tpu.memref_slice %arg4[%add3A, %dma_wait3A_22, %dma_wait3A_23] : memref<32x80x128xi32, #tpu.memory_space<hbm>> -> memref<1x80x128xi32, #tpu.memory_space<hbm>>
      %dma_wait3A_25 = tpu.memref_squeeze %dma_wait3A_24 : memref<1x80x128xi32, #tpu.memory_space<hbm>> -> memref<80x128xi32, #tpu.memory_space<hbm>>
      tpu.wait_dma2 semaphore(%run_scoped3A : memref<!tpu.dma_semaphore, #tpu.memory_space<semaphore_mem>>) src(%dma_wait3A_25 : memref<80x128xi32, #tpu.memory_space<hbm>>) dst(%arg8 : memref<80x128xi32, #tpu.memory_space<vmem>>)
      tpu.yield
    }) : () -> ()
    %scan3A = arith.constant 0 : i32
    %scan3A_3 = arith.constant 80 : i32
    %scan3A_4 = arith.addi %scan3A, %scan3A_3 : i32
    %scan3A_5 = arith.constant 1 : i32
    scf.for %scan3A_12 = %scan3A to %scan3A_4 step %scan3A_5  : i32 {
      %mul3A_13 = arith.constant 1 : i32
      %mul3A_14 = arith.muli %scan3A_12, %mul3A_13 : i32
      %add3A_15 = arith.constant 0 : i32
      %add3A_16 = arith.addi %add3A_15, %mul3A_14 : i32
      "tpu.region"() ({
        %run_scoped3A = tpu.sem_alloc : memref<!tpu.dma_semaphore, #tpu.memory_space<semaphore_mem>>
        %dma_start3A = arith.constant 0 : i32
        %dma_start3A_17 = tpu.memref_slice %arg7[%add3A_16, %dma_start3A] : memref<80x128xi32, #tpu.memory_space<vmem>> -> memref<1x128xi32, #tpu.memory_space<vmem>>
        %dma_start3A_18 = tpu.memref_squeeze %dma_start3A_17 : memref<1x128xi32, #tpu.memory_space<vmem>> -> memref<128xi32, #tpu.memory_space<vmem>>
        %dma_start3A_19 = arith.constant 0 : i32
        %dma_start3A_20 = arith.constant 0 : i32
        %dma_start3A_21 = tpu.memref_slice %arg2[%dma_start3A_19, %dma_start3A_20] : memref<80000x128xf32, #tpu.memory_space<hbm>> -> memref<80000x128xf32, #tpu.memory_space<hbm>>
        tpu.enqueue_indirect_dma source(%dma_start3A_21 : memref<80000x128xf32, #tpu.memory_space<hbm>>) target(%arg9 : memref<128x128xf32, #tpu.memory_space<vmem>>) offsets(%dma_start3A_18 : memref<128xi32, #tpu.memory_space<vmem>>) semaphore(%run_scoped3A : memref<!tpu.dma_semaphore, #tpu.memory_space<semaphore_mem>>)
        %dma_wait3A = arith.constant 0 : i32
        %dma_wait3A_22 = tpu.memref_slice %arg7[%add3A_16, %dma_wait3A] : memref<80x128xi32, #tpu.memory_space<vmem>> -> memref<1x128xi32, #tpu.memory_space<vmem>>
        %dma_wait3A_23 = tpu.memref_squeeze %dma_wait3A_22 : memref<1x128xi32, #tpu.memory_space<vmem>> -> memref<128xi32, #tpu.memory_space<vmem>>
        %dma_wait3A_24 = arith.constant 0 : i32
        %dma_wait3A_25 = arith.constant 0 : i32
        %dma_wait3A_26 = tpu.memref_slice %arg2[%dma_wait3A_24, %dma_wait3A_25] : memref<80000x128xf32, #tpu.memory_space<hbm>> -> memref<80000x128xf32, #tpu.memory_space<hbm>>
        tpu.wait_indirect_dma semaphore(%run_scoped3A : memref<!tpu.dma_semaphore, #tpu.memory_space<semaphore_mem>>) src(%dma_wait3A_26 : memref<80000x128xf32, #tpu.memory_space<hbm>>) dst(%arg9 : memref<128x128xf32, #tpu.memory_space<vmem>>)
        tpu.yield
      }) : () -> ()
      "tpu.region"() ({
        %run_scoped3A = tpu.sem_alloc : memref<!tpu.dma_semaphore, #tpu.memory_space<semaphore_mem>>
        %dma_start3A = arith.constant 0 : i32
        %dma_start3A_17 = tpu.memref_slice %arg8[%add3A_16, %dma_start3A] : memref<80x128xi32, #tpu.memory_space<vmem>> -> memref<1x128xi32, #tpu.memory_space<vmem>>
        %dma_start3A_18 = tpu.memref_squeeze %dma_start3A_17 : memref<1x128xi32, #tpu.memory_space<vmem>> -> memref<128xi32, #tpu.memory_space<vmem>>
        %dma_start3A_19 = arith.constant 0 : i32
        %dma_start3A_20 = arith.constant 0 : i32
        %dma_start3A_21 = tpu.memref_slice %arg10[%dma_start3A_19, %dma_start3A_20] : memref<10240x128xf32, #tpu.memory_space<vmem_shared>> -> memref<10240x128xf32, #tpu.memory_space<vmem_shared>>
        tpu.enqueue_indirect_dma source(%arg9 : memref<128x128xf32, #tpu.memory_space<vmem>>) target(%dma_start3A_21 : memref<10240x128xf32, #tpu.memory_space<vmem_shared>>) offsets(%dma_start3A_18 : memref<128xi32, #tpu.memory_space<vmem>>) semaphore(%run_scoped3A : memref<!tpu.dma_semaphore, #tpu.memory_space<semaphore_mem>>) {add = true}
        %dma_wait3A = arith.constant 0 : i32
        %dma_wait3A_22 = tpu.memref_slice %arg8[%add3A_16, %dma_wait3A] : memref<80x128xi32, #tpu.memory_space<vmem>> -> memref<1x128xi32, #tpu.memory_space<vmem>>
        %dma_wait3A_23 = tpu.memref_squeeze %dma_wait3A_22 : memref<1x128xi32, #tpu.memory_space<vmem>> -> memref<128xi32, #tpu.memory_space<vmem>>
        %dma_wait3A_24 = arith.constant 0 : i32
        %dma_wait3A_25 = arith.constant 0 : i32
        %dma_wait3A_26 = tpu.memref_slice %arg10[%dma_wait3A_24, %dma_wait3A_25] : memref<10240x128xf32, #tpu.memory_space<vmem_shared>> -> memref<10240x128xf32, #tpu.memory_space<vmem_shared>>
        tpu.wait_indirect_dma semaphore(%run_scoped3A : memref<!tpu.dma_semaphore, #tpu.memory_space<semaphore_mem>>) src(%arg9 : memref<128x128xf32, #tpu.memory_space<vmem>>) dst(%dma_wait3A_26 : memref<10240x128xf32, #tpu.memory_space<vmem_shared>>)
        tpu.yield
      }) : () -> ()
    }
    %scan3A_6 = arith.constant 80 : i32
    %barrier3A_7 = arith.constant 0 : index
    tpu.barrier barrier_id(%barrier3A_7)
    %mul3A_8 = arith.constant 640 : i32
    %mul3A_9 = arith.muli %arg1, %mul3A_8 : i32
    %mul3A_10 = arith.constant 640 : i32
    %mul3A_11 = arith.muli %arg1, %mul3A_10 : i32
    "tpu.region"() ({
      %run_scoped3A = tpu.sem_alloc : memref<!tpu.dma_semaphore, #tpu.memory_space<semaphore_mem>>
      %dma_start3A = arith.constant 0 : i32
      %dma_start3A_12 = tpu.memref_slice %arg6[%arg0, %mul3A_11, %dma_start3A] : memref<2x10240x128xf32, #tpu.memory_space<hbm>> -> memref<1x640x128xf32, #tpu.memory_space<hbm>>
      %dma_start3A_13 = tpu.memref_squeeze %dma_start3A_12 : memref<1x640x128xf32, #tpu.memory_space<hbm>> -> memref<640x128xf32, #tpu.memory_space<hbm>>
      %dma_start3A_14 = arith.constant 0 : i32
      %dma_start3A_15 = tpu.memref_slice %arg10[%mul3A_9, %dma_start3A_14] : memref<10240x128xf32, #tpu.memory_space<vmem_shared>> -> memref<640x128xf32, #tpu.memory_space<vmem_shared>>
      tpu.enqueue_dma source(%dma_start3A_15 : memref<640x128xf32, #tpu.memory_space<vmem_shared>>) target(%dma_start3A_13 : memref<640x128xf32, #tpu.memory_space<hbm>>) target_semaphore(%run_scoped3A : memref<!tpu.dma_semaphore, #tpu.memory_space<semaphore_mem>>)
      %dma_wait3A = arith.constant 0 : i32
      %dma_wait3A_16 = tpu.memref_slice %arg6[%arg0, %mul3A_11, %dma_wait3A] : memref<2x10240x128xf32, #tpu.memory_space<hbm>> -> memref<1x640x128xf32, #tpu.memory_space<hbm>>
      %dma_wait3A_17 = tpu.memref_squeeze %dma_wait3A_16 : memref<1x640x128xf32, #tpu.memory_space<hbm>> -> memref<640x128xf32, #tpu.memory_space<hbm>>
      %dma_wait3A_18 = arith.constant 0 : i32
      %dma_wait3A_19 = tpu.memref_slice %arg10[%mul3A_9, %dma_wait3A_18] : memref<10240x128xf32, #tpu.memory_space<vmem_shared>> -> memref<640x128xf32, #tpu.memory_space<vmem_shared>>
      tpu.wait_dma2 semaphore(%run_scoped3A : memref<!tpu.dma_semaphore, #tpu.memory_space<semaphore_mem>>) src(%dma_wait3A_19 : memref<640x128xf32, #tpu.memory_space<vmem_shared>>) dst(%dma_wait3A_17 : memref<640x128xf32, #tpu.memory_space<hbm>>)
      tpu.yield
    }) : () -> ()
    return
  }
}

module attributes {stable_mosaic.version = 14 : i64} {
  func.func @_mid_body(%arg0: i32, %arg1: memref<2x10000x128xf32, #tpu.memory_space<vmem>>, %arg2: memref<10000x128xf32, #tpu.memory_space<vmem>>, %arg3: memref<1x128xf32, #tpu.memory_space<vmem>>, %arg4: memref<1x128xf32, #tpu.memory_space<vmem>>, %arg5: memref<1x128xf32, #tpu.memory_space<vmem>>, %arg6: memref<128x128xf32, #tpu.memory_space<vmem>>, %arg7: memref<1x128x128xf32, #tpu.memory_space<vmem>>, %arg8: memref<10000x128xf32, #tpu.memory_space<vmem>>, %arg9: memref<10000x128xf32, #tpu.memory_space<vmem>>, %arg10: memref<1x10000x128xf32, #tpu.memory_space<vmem>>) attributes {dimension_semantics = [#tpu.dimension_semantics<arbitrary>], iteration_bounds = array<i64: 8>, scalar_prefetch = 0 : i64, scratch_operands = 0 : i64, tpu.core_type = #tpu.core_type<tc>, window_params = [{transform_indices = @transform_0, window_bounds = array<i64: 2, 10000, 128>}, {pipeline_mode = #tpu.pipeline_mode<synchronous>, transform_indices = @transform_1, window_bounds = array<i64: 10000, 128>}, {pipeline_mode = #tpu.pipeline_mode<synchronous>, transform_indices = @transform_2, window_bounds = array<i64: 1, 128>}, {pipeline_mode = #tpu.pipeline_mode<synchronous>, transform_indices = @transform_3, window_bounds = array<i64: 1, 128>}, {pipeline_mode = #tpu.pipeline_mode<synchronous>, transform_indices = @transform_4, window_bounds = array<i64: 1, 128>}, {pipeline_mode = #tpu.pipeline_mode<synchronous>, transform_indices = @transform_5, window_bounds = array<i64: 128, 128>}, {transform_indices = @transform_6, window_bounds = array<i64: 1, 128, 128>}, {pipeline_mode = #tpu.pipeline_mode<synchronous>, transform_indices = @transform_7, window_bounds = array<i64: 10000, 128>}, {pipeline_mode = #tpu.pipeline_mode<synchronous>, transform_indices = @transform_8, window_bounds = array<i64: 10000, 128>}, {transform_indices = @transform_9, window_bounds = array<i64: 1, 10000, 128>}]} {
    %eq3A = arith.constant 0 : i32
    %eq3A_0 = arith.cmpi eq, %arg0, %eq3A : i32
    %convert_element_type3A = arith.extui %eq3A_0 : i1 to i32
    %cond3A = arith.constant 0 : i32
    %cond3A_1 = arith.cmpi ne, %convert_element_type3A, %cond3A : i32
    scf.if %cond3A_1 {
      %get3A_15 = arith.constant 0 : index
      %get3A_16 = arith.constant 0 : index
      %get3A_17 = arith.constant 0 : index
      %get3A_18 = vector.load %arg1[%get3A_15, %get3A_16, %get3A_17] : memref<2x10000x128xf32, #tpu.memory_space<vmem>>, vector<1x10000x128xf32>
      %get3A_19 = vector.shape_cast %get3A_18 : vector<1x10000x128xf32> to vector<10000x128xf32>
      %get3A_20 = arith.constant 1 : index
      %get3A_21 = arith.constant 0 : index
      %get3A_22 = arith.constant 0 : index
      %get3A_23 = vector.load %arg1[%get3A_20, %get3A_21, %get3A_22] : memref<2x10000x128xf32, #tpu.memory_space<vmem>>, vector<1x10000x128xf32>
      %get3A_24 = vector.shape_cast %get3A_23 : vector<1x10000x128xf32> to vector<10000x128xf32>
      %add3A = arith.addf %get3A_19, %get3A_24 : vector<10000x128xf32>
      %get3A_25 = arith.constant 0 : index
      %get3A_26 = arith.constant 0 : index
      %get3A_27 = vector.load %arg2[%get3A_25, %get3A_26] : memref<10000x128xf32, #tpu.memory_space<vmem>>, vector<10000x128xf32>
      %add3A_28 = arith.addf %add3A, %get3A_27 : vector<10000x128xf32>
      %get3A_29 = arith.constant 0 : index
      %get3A_30 = arith.constant 0 : index
      %get3A_31 = vector.load %arg3[%get3A_29, %get3A_30] : memref<1x128xf32, #tpu.memory_space<vmem>>, vector<1x128xf32>
      %add3A_32 = vector.broadcast %get3A_31 : vector<1x128xf32> to vector<10000x128xf32>
      %add3A_33 = arith.addf %add3A_28, %add3A_32 : vector<10000x128xf32>
      %reduce_sum3A = arith.constant dense<0.000000e+00> : vector<128xf32>
      %reduce_sum3A_34 = vector.multi_reduction <add>, %add3A_33, %reduce_sum3A [0] : vector<10000x128xf32> to vector<128xf32>
      %broadcast_in_dim3A = vector.shape_cast %reduce_sum3A_34 : vector<128xf32> to vector<1x128xf32>
      %div3A = arith.constant 1.000000e+04 : f32
      %div3A_35 = vector.broadcast %div3A : f32 to vector<1x128xf32>
      %div3A_36 = arith.divf %broadcast_in_dim3A, %div3A_35 : vector<1x128xf32>
      %sub3A = vector.broadcast %div3A_36 : vector<1x128xf32> to vector<10000x128xf32>
      %sub3A_37 = arith.subf %add3A_33, %sub3A : vector<10000x128xf32>
      %integer_pow3A = arith.mulf %sub3A_37, %sub3A_37 : vector<10000x128xf32>
      %reduce_sum3A_38 = arith.constant dense<0.000000e+00> : vector<128xf32>
      %reduce_sum3A_39 = vector.multi_reduction <add>, %integer_pow3A, %reduce_sum3A_38 [0] : vector<10000x128xf32> to vector<128xf32>
      %broadcast_in_dim3A_40 = vector.shape_cast %reduce_sum3A_39 : vector<128xf32> to vector<1x128xf32>
      %div3A_41 = arith.constant 1.000000e+04 : f32
      %div3A_42 = vector.broadcast %div3A_41 : f32 to vector<1x128xf32>
      %div3A_43 = arith.divf %broadcast_in_dim3A_40, %div3A_42 : vector<1x128xf32>
      %sub3A_44 = vector.broadcast %div3A_36 : vector<1x128xf32> to vector<10000x128xf32>
      %sub3A_45 = arith.subf %add3A_33, %sub3A_44 : vector<10000x128xf32>
      %add3A_46 = arith.constant 9.99999974E-6 : f32
      %add3A_47 = vector.broadcast %add3A_46 : f32 to vector<1x128xf32>
      %add3A_48 = arith.addf %div3A_43, %add3A_47 : vector<1x128xf32>
      %sqrt3A = math.sqrt %add3A_48 : vector<1x128xf32>
      %div3A_49 = vector.broadcast %sqrt3A : vector<1x128xf32> to vector<10000x128xf32>
      %div3A_50 = arith.divf %sub3A_45, %div3A_49 : vector<10000x128xf32>
      %get3A_51 = arith.constant 0 : index
      %get3A_52 = arith.constant 0 : index
      %get3A_53 = vector.load %arg4[%get3A_51, %get3A_52] : memref<1x128xf32, #tpu.memory_space<vmem>>, vector<1x128xf32>
      %mul3A = vector.broadcast %get3A_53 : vector<1x128xf32> to vector<10000x128xf32>
      %mul3A_54 = arith.mulf %div3A_50, %mul3A : vector<10000x128xf32>
      %get3A_55 = arith.constant 0 : index
      %get3A_56 = arith.constant 0 : index
      %get3A_57 = vector.load %arg5[%get3A_55, %get3A_56] : memref<1x128xf32, #tpu.memory_space<vmem>>, vector<1x128xf32>
      %add3A_58 = vector.broadcast %get3A_57 : vector<1x128xf32> to vector<10000x128xf32>
      %add3A_59 = arith.addf %mul3A_54, %add3A_58 : vector<10000x128xf32>
      %max3A = arith.constant 0.000000e+00 : f32
      %max3A_60 = vector.broadcast %max3A : f32 to vector<10000x128xf32>
      %max3A_61 = arith.maximumf %add3A_59, %max3A_60 : vector<10000x128xf32>
      %swap3A_62 = arith.constant 0 : index
      %swap3A_63 = arith.constant 0 : index
      %swap3A_64 = vector.load %arg8[%swap3A_62, %swap3A_63] : memref<10000x128xf32, #tpu.memory_space<vmem>>, vector<10000x128xf32>
      tpu.vector_store %arg8[%swap3A_62, %swap3A_63], %max3A_61 {strides = array<i32>} : memref<10000x128xf32, #tpu.memory_space<vmem>>, vector<10000x128xf32>,
      %get3A_65 = arith.constant 0 : index
      %get3A_66 = arith.constant 0 : index
      %get3A_67 = vector.load %arg6[%get3A_65, %get3A_66] : memref<128x128xf32, #tpu.memory_space<vmem>>, vector<128x128xf32>
      %dot_general3A_68 = arith.constant dense<0.000000e+00> : vector<10000x128xf32>
      %dot_general3A_69 = tpu.matmul %max3A_61, %get3A_67, %dot_general3A_68 {dimension_numbers = #tpu.dot_dimension_numbers<[1], [0], [0], [1], [0, 0, 1, 1], [], []>, transpose_lhs_hint = false} : vector<10000x128xf32>, vector<128x128xf32>, vector<10000x128xf32> -> vector<10000x128xf32>
      %swap3A_70 = arith.constant 0 : index
      %swap3A_71 = arith.constant 0 : index
      %swap3A_72 = vector.load %arg9[%swap3A_70, %swap3A_71] : memref<10000x128xf32, #tpu.memory_space<vmem>>, vector<10000x128xf32>
      tpu.vector_store %arg9[%swap3A_70, %swap3A_71], %dot_general3A_69 {strides = array<i32>} : memref<10000x128xf32, #tpu.memory_space<vmem>>, vector<10000x128xf32>,
    } else {
    }
    %get3A = arith.constant 0 : index
    %get3A_2 = arith.constant 0 : index
    %get3A_3 = vector.load %arg8[%get3A, %get3A_2] : memref<10000x128xf32, #tpu.memory_space<vmem>>, vector<10000x128xf32>
    %get3A_4 = arith.constant 0 : index
    %get3A_5 = arith.constant 0 : index
    %get3A_6 = arith.constant 0 : index
    %get3A_7 = vector.load %arg7[%get3A_4, %get3A_5, %get3A_6] : memref<1x128x128xf32, #tpu.memory_space<vmem>>, vector<1x128x128xf32>
    %get3A_8 = vector.shape_cast %get3A_7 : vector<1x128x128xf32> to vector<128x128xf32>
    %dot_general3A = arith.constant dense<0.000000e+00> : vector<10000x128xf32>
    %dot_general3A_9 = tpu.matmul %get3A_3, %get3A_8, %dot_general3A {dimension_numbers = #tpu.dot_dimension_numbers<[1], [0], [0], [1], [0, 0, 1, 1], [], []>, transpose_lhs_hint = false} : vector<10000x128xf32>, vector<128x128xf32>, vector<10000x128xf32> -> vector<10000x128xf32>
    %swap3A = arith.constant 0 : index
    %swap3A_10 = arith.constant 0 : index
    %swap3A_11 = arith.constant 0 : index
    %swap3A_12 = vector.load %arg10[%swap3A, %swap3A_10, %swap3A_11] : memref<1x10000x128xf32, #tpu.memory_space<vmem>>, vector<1x10000x128xf32>
    %swap3A_13 = vector.shape_cast %swap3A_12 : vector<1x10000x128xf32> to vector<10000x128xf32>
    %swap3A_14 = vector.shape_cast %dot_general3A_9 : vector<10000x128xf32> to vector<1x10000x128xf32>
    tpu.vector_store %arg10[%swap3A, %swap3A_10, %swap3A_11], %swap3A_14 {strides = array<i32>} : memref<1x10000x128xf32, #tpu.memory_space<vmem>>, vector<1x10000x128xf32>,
    return
  }
  func.func @transform_0(%arg0: i32) -> (i32, i32, i32) {
    %c0_i32 = arith.constant 0 : i32
    %c0_i32_0 = arith.constant 0 : i32
    %c0_i32_1 = arith.constant 0 : i32
    %c0_i32_2 = arith.constant 0 : i32
    return %c0_i32, %c0_i32_0, %c0_i32_1 : i32, i32, i32
  }
  func.func @transform_1(%arg0: i32) -> (i32, i32) {
    %c0_i32 = arith.constant 0 : i32
    %c0_i32_0 = arith.constant 0 : i32
    %c0_i32_1 = arith.constant 0 : i32
    return %c0_i32, %c0_i32_0 : i32, i32
  }
  func.func @transform_2(%arg0: i32) -> (i32, i32) {
    %c0_i32 = arith.constant 0 : i32
    %c0_i32_0 = arith.constant 0 : i32
    %c0_i32_1 = arith.constant 0 : i32
    return %c0_i32, %c0_i32_0 : i32, i32
  }
  func.func @transform_3(%arg0: i32) -> (i32, i32) {
    %c0_i32 = arith.constant 0 : i32
    %c0_i32_0 = arith.constant 0 : i32
    %c0_i32_1 = arith.constant 0 : i32
    return %c0_i32, %c0_i32_0 : i32, i32
  }
  func.func @transform_4(%arg0: i32) -> (i32, i32) {
    %c0_i32 = arith.constant 0 : i32
    %c0_i32_0 = arith.constant 0 : i32
    %c0_i32_1 = arith.constant 0 : i32
    return %c0_i32, %c0_i32_0 : i32, i32
  }
  func.func @transform_5(%arg0: i32) -> (i32, i32) {
    %c0_i32 = arith.constant 0 : i32
    %c0_i32_0 = arith.constant 0 : i32
    %c0_i32_1 = arith.constant 0 : i32
    return %c0_i32, %c0_i32_0 : i32, i32
  }
  func.func @transform_6(%arg0: i32) -> (i32, i32, i32) {
    %c0_i32 = arith.constant 0 : i32
    %c0_i32_0 = arith.constant 0 : i32
    %c0_i32_1 = arith.constant 0 : i32
    return %arg0, %c0_i32, %c0_i32_0 : i32, i32, i32
  }
  func.func @transform_7(%arg0: i32) -> (i32, i32) {
    %c0_i32 = arith.constant 0 : i32
    %c0_i32_0 = arith.constant 0 : i32
    %c0_i32_1 = arith.constant 0 : i32
    return %c0_i32, %c0_i32_0 : i32, i32
  }
  func.func @transform_8(%arg0: i32) -> (i32, i32) {
    %c0_i32 = arith.constant 0 : i32
    %c0_i32_0 = arith.constant 0 : i32
    %c0_i32_1 = arith.constant 0 : i32
    return %c0_i32, %c0_i32_0 : i32, i32
  }
  func.func @transform_9(%arg0: i32) -> (i32, i32, i32) {
    %c0_i32 = arith.constant 0 : i32
    %c0_i32_0 = arith.constant 0 : i32
    %c0_i32_1 = arith.constant 0 : i32
    return %arg0, %c0_i32, %c0_i32_0 : i32, i32, i32
  }
}

module attributes {stable_mosaic.version = 14 : i64} {
  func.func @_pre_body(%arg0: i32, %arg1: i32, %arg2: memref<2000x128xf32, #tpu.memory_space<vmem>>, %arg3: memref<128x128xf32, #tpu.memory_space<vmem>>, %arg4: memref<1x128xf32, #tpu.memory_space<vmem>>, %arg5: memref<1x128x128xf32, #tpu.memory_space<vmem>>, %arg6: memref<128x128xf32, #tpu.memory_space<vmem>>, %arg7: memref<2000x128xf32, #tpu.memory_space<vmem>>, %arg8: memref<2000x128xf32, #tpu.memory_space<vmem>>, %arg9: memref<1x2000x128xf32, #tpu.memory_space<vmem>>) attributes {dimension_semantics = [#tpu.dimension_semantics<arbitrary>, #tpu.dimension_semantics<arbitrary>], iteration_bounds = array<i64: 5, 8>, scalar_prefetch = 0 : i64, scratch_operands = 0 : i64, tpu.core_type = #tpu.core_type<tc>, window_params = [{transform_indices = @transform_0, window_bounds = array<i64: 2000, 128>}, {pipeline_mode = #tpu.pipeline_mode<synchronous>, transform_indices = @transform_1, window_bounds = array<i64: 128, 128>}, {pipeline_mode = #tpu.pipeline_mode<synchronous>, transform_indices = @transform_2, window_bounds = array<i64: 1, 128>}, {transform_indices = @transform_3, window_bounds = array<i64: 1, 128, 128>}, {pipeline_mode = #tpu.pipeline_mode<synchronous>, transform_indices = @transform_4, window_bounds = array<i64: 128, 128>}, {transform_indices = @transform_5, window_bounds = array<i64: 2000, 128>}, {transform_indices = @transform_6, window_bounds = array<i64: 2000, 128>}, {transform_indices = @transform_7, window_bounds = array<i64: 1, 2000, 128>}]} {
    %eq3A = arith.constant 0 : i32
    %eq3A_0 = arith.cmpi eq, %arg1, %eq3A : i32
    %convert_element_type3A = arith.extui %eq3A_0 : i1 to i32
    %cond3A = arith.constant 0 : i32
    %cond3A_1 = arith.cmpi ne, %convert_element_type3A, %cond3A : i32
    scf.if %cond3A_1 {
      %get3A_15 = arith.constant 0 : index
      %get3A_16 = arith.constant 0 : index
      %get3A_17 = vector.load %arg2[%get3A_15, %get3A_16] : memref<2000x128xf32, #tpu.memory_space<vmem>>, vector<2000x128xf32>
      %get3A_18 = arith.constant 0 : index
      %get3A_19 = arith.constant 0 : index
      %get3A_20 = vector.load %arg3[%get3A_18, %get3A_19] : memref<128x128xf32, #tpu.memory_space<vmem>>, vector<128x128xf32>
      %dot_general3A_21 = arith.constant dense<0.000000e+00> : vector<2000x128xf32>
      %dot_general3A_22 = tpu.matmul %get3A_17, %get3A_20, %dot_general3A_21 {dimension_numbers = #tpu.dot_dimension_numbers<[1], [0], [0], [1], [0, 0, 1, 1], [], []>, transpose_lhs_hint = false} : vector<2000x128xf32>, vector<128x128xf32>, vector<2000x128xf32> -> vector<2000x128xf32>
      %get3A_23 = arith.constant 0 : index
      %get3A_24 = arith.constant 0 : index
      %get3A_25 = vector.load %arg4[%get3A_23, %get3A_24] : memref<1x128xf32, #tpu.memory_space<vmem>>, vector<1x128xf32>
      %add3A = vector.broadcast %get3A_25 : vector<1x128xf32> to vector<2000x128xf32>
      %add3A_26 = arith.addf %dot_general3A_22, %add3A : vector<2000x128xf32>
      %swap3A_27 = arith.constant 0 : index
      %swap3A_28 = arith.constant 0 : index
      %swap3A_29 = vector.load %arg7[%swap3A_27, %swap3A_28] : memref<2000x128xf32, #tpu.memory_space<vmem>>, vector<2000x128xf32>
      tpu.vector_store %arg7[%swap3A_27, %swap3A_28], %add3A_26 {strides = array<i32>} : memref<2000x128xf32, #tpu.memory_space<vmem>>, vector<2000x128xf32>,
      %get3A_30 = arith.constant 0 : index
      %get3A_31 = arith.constant 0 : index
      %get3A_32 = vector.load %arg6[%get3A_30, %get3A_31] : memref<128x128xf32, #tpu.memory_space<vmem>>, vector<128x128xf32>
      %dot_general3A_33 = arith.constant dense<0.000000e+00> : vector<2000x128xf32>
      %dot_general3A_34 = tpu.matmul %add3A_26, %get3A_32, %dot_general3A_33 {dimension_numbers = #tpu.dot_dimension_numbers<[1], [0], [0], [1], [0, 0, 1, 1], [], []>, transpose_lhs_hint = false} : vector<2000x128xf32>, vector<128x128xf32>, vector<2000x128xf32> -> vector<2000x128xf32>
      %swap3A_35 = arith.constant 0 : index
      %swap3A_36 = arith.constant 0 : index
      %swap3A_37 = vector.load %arg8[%swap3A_35, %swap3A_36] : memref<2000x128xf32, #tpu.memory_space<vmem>>, vector<2000x128xf32>
      tpu.vector_store %arg8[%swap3A_35, %swap3A_36], %dot_general3A_34 {strides = array<i32>} : memref<2000x128xf32, #tpu.memory_space<vmem>>, vector<2000x128xf32>,
    } else {
    }
    %get3A = arith.constant 0 : index
    %get3A_2 = arith.constant 0 : index
    %get3A_3 = vector.load %arg7[%get3A, %get3A_2] : memref<2000x128xf32, #tpu.memory_space<vmem>>, vector<2000x128xf32>
    %get3A_4 = arith.constant 0 : index
    %get3A_5 = arith.constant 0 : index
    %get3A_6 = arith.constant 0 : index
    %get3A_7 = vector.load %arg5[%get3A_4, %get3A_5, %get3A_6] : memref<1x128x128xf32, #tpu.memory_space<vmem>>, vector<1x128x128xf32>
    %get3A_8 = vector.shape_cast %get3A_7 : vector<1x128x128xf32> to vector<128x128xf32>
    %dot_general3A = arith.constant dense<0.000000e+00> : vector<2000x128xf32>
    %dot_general3A_9 = tpu.matmul %get3A_3, %get3A_8, %dot_general3A {dimension_numbers = #tpu.dot_dimension_numbers<[1], [0], [0], [1], [0, 0, 1, 1], [], []>, transpose_lhs_hint = false} : vector<2000x128xf32>, vector<128x128xf32>, vector<2000x128xf32> -> vector<2000x128xf32>
    %swap3A = arith.constant 0 : index
    %swap3A_10 = arith.constant 0 : index
    %swap3A_11 = arith.constant 0 : index
    %swap3A_12 = vector.load %arg9[%swap3A, %swap3A_10, %swap3A_11] : memref<1x2000x128xf32, #tpu.memory_space<vmem>>, vector<1x2000x128xf32>
    %swap3A_13 = vector.shape_cast %swap3A_12 : vector<1x2000x128xf32> to vector<2000x128xf32>
    %swap3A_14 = vector.shape_cast %dot_general3A_9 : vector<2000x128xf32> to vector<1x2000x128xf32>
    tpu.vector_store %arg9[%swap3A, %swap3A_10, %swap3A_11], %swap3A_14 {strides = array<i32>} : memref<1x2000x128xf32, #tpu.memory_space<vmem>>, vector<1x2000x128xf32>,
    return
  }
  func.func @transform_0(%arg0: i32, %arg1: i32) -> (i32, i32) {
    %c0_i32 = arith.constant 0 : i32
    %c0_i32_0 = arith.constant 0 : i32
    return %arg0, %c0_i32 : i32, i32
  }
  func.func @transform_1(%arg0: i32, %arg1: i32) -> (i32, i32) {
    %c0_i32 = arith.constant 0 : i32
    %c0_i32_0 = arith.constant 0 : i32
    %c0_i32_1 = arith.constant 0 : i32
    return %c0_i32, %c0_i32_0 : i32, i32
  }
  func.func @transform_2(%arg0: i32, %arg1: i32) -> (i32, i32) {
    %c0_i32 = arith.constant 0 : i32
    %c0_i32_0 = arith.constant 0 : i32
    %c0_i32_1 = arith.constant 0 : i32
    return %c0_i32, %c0_i32_0 : i32, i32
  }
  func.func @transform_3(%arg0: i32, %arg1: i32) -> (i32, i32, i32) {
    %c0_i32 = arith.constant 0 : i32
    %c0_i32_0 = arith.constant 0 : i32
    %c0_i32_1 = arith.constant 0 : i32
    return %arg1, %c0_i32, %c0_i32_0 : i32, i32, i32
  }
  func.func @transform_4(%arg0: i32, %arg1: i32) -> (i32, i32) {
    %c0_i32 = arith.constant 0 : i32
    %c0_i32_0 = arith.constant 0 : i32
    %c0_i32_1 = arith.constant 0 : i32
    return %c0_i32, %c0_i32_0 : i32, i32
  }
  func.func @transform_5(%arg0: i32, %arg1: i32) -> (i32, i32) {
    %c0_i32 = arith.constant 0 : i32
    %c0_i32_0 = arith.constant 0 : i32
    return %arg0, %c0_i32 : i32, i32
  }
  func.func @transform_6(%arg0: i32, %arg1: i32) -> (i32, i32) {
    %c0_i32 = arith.constant 0 : i32
    %c0_i32_0 = arith.constant 0 : i32
    return %arg0, %c0_i32 : i32, i32
  }
  func.func @transform_7(%arg0: i32, %arg1: i32) -> (i32, i32, i32) {
    %c0_i32 = arith.constant 0 : i32
    %c0_i32_0 = arith.constant 0 : i32
    return %arg1, %arg0, %c0_i32 : i32, i32, i32
  }
}

module attributes {stable_mosaic.version = 14 : i64} {
  func.func @_fin_body(%arg0: i32, %arg1: memref<2x10000x128xf32, #tpu.memory_space<vmem>>, %arg2: memref<10000x128xf32, #tpu.memory_space<vmem>>, %arg3: memref<1x128xf32, #tpu.memory_space<vmem>>, %arg4: memref<1x128xf32, #tpu.memory_space<vmem>>, %arg5: memref<1x128xf32, #tpu.memory_space<vmem>>, %arg6: memref<128x128xf32, #tpu.memory_space<vmem>>, %arg7: memref<1x128xf32, #tpu.memory_space<vmem>>, %arg8: memref<128x1xf32, #tpu.memory_space<vmem>>, %arg9: memref<1x1xf32, #tpu.memory_space<vmem>>, %arg10: memref<10000x1xf32, #tpu.memory_space<vmem>>) attributes {dimension_semantics = [#tpu.dimension_semantics<arbitrary>], iteration_bounds = array<i64: 1>, scalar_prefetch = 0 : i64, scratch_operands = 0 : i64, tpu.core_type = #tpu.core_type<tc>, window_params = [{transform_indices = @transform_0, window_bounds = array<i64: 2, 10000, 128>}, {pipeline_mode = #tpu.pipeline_mode<synchronous>, transform_indices = @transform_1, window_bounds = array<i64: 10000, 128>}, {pipeline_mode = #tpu.pipeline_mode<synchronous>, transform_indices = @transform_2, window_bounds = array<i64: 1, 128>}, {pipeline_mode = #tpu.pipeline_mode<synchronous>, transform_indices = @transform_3, window_bounds = array<i64: 1, 128>}, {pipeline_mode = #tpu.pipeline_mode<synchronous>, transform_indices = @transform_4, window_bounds = array<i64: 1, 128>}, {pipeline_mode = #tpu.pipeline_mode<synchronous>, transform_indices = @transform_5, window_bounds = array<i64: 128, 128>}, {pipeline_mode = #tpu.pipeline_mode<synchronous>, transform_indices = @transform_6, window_bounds = array<i64: 1, 128>}, {pipeline_mode = #tpu.pipeline_mode<synchronous>, transform_indices = @transform_7, window_bounds = array<i64: 128, 1>}, {pipeline_mode = #tpu.pipeline_mode<synchronous>, transform_indices = @transform_8, window_bounds = array<i64: 1, 1>}, {pipeline_mode = #tpu.pipeline_mode<synchronous>, transform_indices = @transform_9, window_bounds = array<i64: 10000, 1>}]} {
    %get3A = arith.constant 0 : index
    %get3A_0 = arith.constant 0 : index
    %get3A_1 = arith.constant 0 : index
    %get3A_2 = vector.load %arg1[%get3A, %get3A_0, %get3A_1] : memref<2x10000x128xf32, #tpu.memory_space<vmem>>, vector<1x10000x128xf32>
    %get3A_3 = vector.shape_cast %get3A_2 : vector<1x10000x128xf32> to vector<10000x128xf32>
    %get3A_4 = arith.constant 1 : index
    %get3A_5 = arith.constant 0 : index
    %get3A_6 = arith.constant 0 : index
    %get3A_7 = vector.load %arg1[%get3A_4, %get3A_5, %get3A_6] : memref<2x10000x128xf32, #tpu.memory_space<vmem>>, vector<1x10000x128xf32>
    %get3A_8 = vector.shape_cast %get3A_7 : vector<1x10000x128xf32> to vector<10000x128xf32>
    %add3A = arith.addf %get3A_3, %get3A_8 : vector<10000x128xf32>
    %get3A_9 = arith.constant 0 : index
    %get3A_10 = arith.constant 0 : index
    %get3A_11 = vector.load %arg2[%get3A_9, %get3A_10] : memref<10000x128xf32, #tpu.memory_space<vmem>>, vector<10000x128xf32>
    %add3A_12 = arith.addf %add3A, %get3A_11 : vector<10000x128xf32>
    %get3A_13 = arith.constant 0 : index
    %get3A_14 = arith.constant 0 : index
    %get3A_15 = vector.load %arg3[%get3A_13, %get3A_14] : memref<1x128xf32, #tpu.memory_space<vmem>>, vector<1x128xf32>
    %add3A_16 = vector.broadcast %get3A_15 : vector<1x128xf32> to vector<10000x128xf32>
    %add3A_17 = arith.addf %add3A_12, %add3A_16 : vector<10000x128xf32>
    %reduce_sum3A = arith.constant dense<0.000000e+00> : vector<128xf32>
    %reduce_sum3A_18 = vector.multi_reduction <add>, %add3A_17, %reduce_sum3A [0] : vector<10000x128xf32> to vector<128xf32>
    %broadcast_in_dim3A = vector.shape_cast %reduce_sum3A_18 : vector<128xf32> to vector<1x128xf32>
    %div3A = arith.constant 1.000000e+04 : f32
    %div3A_19 = vector.broadcast %div3A : f32 to vector<1x128xf32>
    %div3A_20 = arith.divf %broadcast_in_dim3A, %div3A_19 : vector<1x128xf32>
    %sub3A = vector.broadcast %div3A_20 : vector<1x128xf32> to vector<10000x128xf32>
    %sub3A_21 = arith.subf %add3A_17, %sub3A : vector<10000x128xf32>
    %integer_pow3A = arith.mulf %sub3A_21, %sub3A_21 : vector<10000x128xf32>
    %reduce_sum3A_22 = arith.constant dense<0.000000e+00> : vector<128xf32>
    %reduce_sum3A_23 = vector.multi_reduction <add>, %integer_pow3A, %reduce_sum3A_22 [0] : vector<10000x128xf32> to vector<128xf32>
    %broadcast_in_dim3A_24 = vector.shape_cast %reduce_sum3A_23 : vector<128xf32> to vector<1x128xf32>
    %div3A_25 = arith.constant 1.000000e+04 : f32
    %div3A_26 = vector.broadcast %div3A_25 : f32 to vector<1x128xf32>
    %div3A_27 = arith.divf %broadcast_in_dim3A_24, %div3A_26 : vector<1x128xf32>
    %sub3A_28 = vector.broadcast %div3A_20 : vector<1x128xf32> to vector<10000x128xf32>
    %sub3A_29 = arith.subf %add3A_17, %sub3A_28 : vector<10000x128xf32>
    %add3A_30 = arith.constant 9.99999974E-6 : f32
    %add3A_31 = vector.broadcast %add3A_30 : f32 to vector<1x128xf32>
    %add3A_32 = arith.addf %div3A_27, %add3A_31 : vector<1x128xf32>
    %sqrt3A = math.sqrt %add3A_32 : vector<1x128xf32>
    %div3A_33 = vector.broadcast %sqrt3A : vector<1x128xf32> to vector<10000x128xf32>
    %div3A_34 = arith.divf %sub3A_29, %div3A_33 : vector<10000x128xf32>
    %get3A_35 = arith.constant 0 : index
    %get3A_36 = arith.constant 0 : index
    %get3A_37 = vector.load %arg4[%get3A_35, %get3A_36] : memref<1x128xf32, #tpu.memory_space<vmem>>, vector<1x128xf32>
    %mul3A = vector.broadcast %get3A_37 : vector<1x128xf32> to vector<10000x128xf32>
    %mul3A_38 = arith.mulf %div3A_34, %mul3A : vector<10000x128xf32>
    %get3A_39 = arith.constant 0 : index
    %get3A_40 = arith.constant 0 : index
    %get3A_41 = vector.load %arg5[%get3A_39, %get3A_40] : memref<1x128xf32, #tpu.memory_space<vmem>>, vector<1x128xf32>
    %add3A_42 = vector.broadcast %get3A_41 : vector<1x128xf32> to vector<10000x128xf32>
    %add3A_43 = arith.addf %mul3A_38, %add3A_42 : vector<10000x128xf32>
    %max3A = arith.constant 0.000000e+00 : f32
    %max3A_44 = vector.broadcast %max3A : f32 to vector<10000x128xf32>
    %max3A_45 = arith.maximumf %add3A_43, %max3A_44 : vector<10000x128xf32>
    %get3A_46 = arith.constant 0 : index
    %get3A_47 = arith.constant 0 : index
    %get3A_48 = vector.load %arg6[%get3A_46, %get3A_47] : memref<128x128xf32, #tpu.memory_space<vmem>>, vector<128x128xf32>
    %dot_general3A = arith.constant dense<0.000000e+00> : vector<10000x128xf32>
    %dot_general3A_49 = tpu.matmul %max3A_45, %get3A_48, %dot_general3A {dimension_numbers = #tpu.dot_dimension_numbers<[1], [0], [0], [1], [0, 0, 1, 1], [], []>, transpose_lhs_hint = false} : vector<10000x128xf32>, vector<128x128xf32>, vector<10000x128xf32> -> vector<10000x128xf32>
    %get3A_50 = arith.constant 0 : index
    %get3A_51 = arith.constant 0 : index
    %get3A_52 = vector.load %arg7[%get3A_50, %get3A_51] : memref<1x128xf32, #tpu.memory_space<vmem>>, vector<1x128xf32>
    %add3A_53 = vector.broadcast %get3A_52 : vector<1x128xf32> to vector<10000x128xf32>
    %add3A_54 = arith.addf %dot_general3A_49, %add3A_53 : vector<10000x128xf32>
    %get3A_55 = arith.constant 0 : index
    %get3A_56 = arith.constant 0 : index
    %get3A_57 = vector.load %arg8[%get3A_55, %get3A_56] : memref<128x1xf32, #tpu.memory_space<vmem>>, vector<128x1xf32>
    %dot_general3A_58 = arith.constant dense<0.000000e+00> : vector<10000x1xf32>
    %dot_general3A_59 = tpu.matmul %add3A_54, %get3A_57, %dot_general3A_58 {dimension_numbers = #tpu.dot_dimension_numbers<[1], [0], [0], [1], [0, 0, 1, 1], [], []>, transpose_lhs_hint = false} : vector<10000x128xf32>, vector<128x1xf32>, vector<10000x1xf32> -> vector<10000x1xf32>
    %get3A_60 = arith.constant 0 : index
    %get3A_61 = arith.constant 0 : index
    %get3A_62 = vector.load %arg9[%get3A_60, %get3A_61] : memref<1x1xf32, #tpu.memory_space<vmem>>, vector<1x1xf32>
    %add3A_63 = vector.broadcast %get3A_62 : vector<1x1xf32> to vector<10000x1xf32>
    %add3A_64 = arith.addf %dot_general3A_59, %add3A_63 : vector<10000x1xf32>
    %logistic3A = arith.negf %add3A_64 : vector<10000x1xf32>
    %logistic3A_65 = math.exp %logistic3A : vector<10000x1xf32>
    %logistic3A_66 = arith.constant 1.000000e+00 : f32
    %logistic3A_67 = vector.broadcast %logistic3A_66 : f32 to vector<10000x1xf32>
    %logistic3A_68 = arith.addf %logistic3A_67, %logistic3A_65 : vector<10000x1xf32>
    %logistic3A_69 = arith.divf %logistic3A_67, %logistic3A_68 : vector<10000x1xf32>
    %swap3A = arith.constant 0 : index
    %swap3A_70 = arith.constant 0 : index
    %swap3A_71 = vector.load %arg10[%swap3A, %swap3A_70] : memref<10000x1xf32, #tpu.memory_space<vmem>>, vector<10000x1xf32>
    tpu.vector_store %arg10[%swap3A, %swap3A_70], %logistic3A_69 {strides = array<i32>} : memref<10000x1xf32, #tpu.memory_space<vmem>>, vector<10000x1xf32>,
    return
  }
  func.func @transform_0(%arg0: i32) -> (i32, i32, i32) {
    %c0_i32 = arith.constant 0 : i32
    %c0_i32_0 = arith.constant 0 : i32
    %c0_i32_1 = arith.constant 0 : i32
    %c0_i32_2 = arith.constant 0 : i32
    return %c0_i32, %c0_i32_0, %c0_i32_1 : i32, i32, i32
  }
  func.func @transform_1(%arg0: i32) -> (i32, i32) {
    %c0_i32 = arith.constant 0 : i32
    %c0_i32_0 = arith.constant 0 : i32
    %c0_i32_1 = arith.constant 0 : i32
    return %c0_i32, %c0_i32_0 : i32, i32
  }
  func.func @transform_2(%arg0: i32) -> (i32, i32) {
    %c0_i32 = arith.constant 0 : i32
    %c0_i32_0 = arith.constant 0 : i32
    %c0_i32_1 = arith.constant 0 : i32
    return %c0_i32, %c0_i32_0 : i32, i32
  }
  func.func @transform_3(%arg0: i32) -> (i32, i32) {
    %c0_i32 = arith.constant 0 : i32
    %c0_i32_0 = arith.constant 0 : i32
    %c0_i32_1 = arith.constant 0 : i32
    return %c0_i32, %c0_i32_0 : i32, i32
  }
  func.func @transform_4(%arg0: i32) -> (i32, i32) {
    %c0_i32 = arith.constant 0 : i32
    %c0_i32_0 = arith.constant 0 : i32
    %c0_i32_1 = arith.constant 0 : i32
    return %c0_i32, %c0_i32_0 : i32, i32
  }
  func.func @transform_5(%arg0: i32) -> (i32, i32) {
    %c0_i32 = arith.constant 0 : i32
    %c0_i32_0 = arith.constant 0 : i32
    %c0_i32_1 = arith.constant 0 : i32
    return %c0_i32, %c0_i32_0 : i32, i32
  }
  func.func @transform_6(%arg0: i32) -> (i32, i32) {
    %c0_i32 = arith.constant 0 : i32
    %c0_i32_0 = arith.constant 0 : i32
    %c0_i32_1 = arith.constant 0 : i32
    return %c0_i32, %c0_i32_0 : i32, i32
  }
  func.func @transform_7(%arg0: i32) -> (i32, i32) {
    %c0_i32 = arith.constant 0 : i32
    %c0_i32_0 = arith.constant 0 : i32
    %c0_i32_1 = arith.constant 0 : i32
    return %c0_i32, %c0_i32_0 : i32, i32
  }
  func.func @transform_8(%arg0: i32) -> (i32, i32) {
    %c0_i32 = arith.constant 0 : i32
    %c0_i32_0 = arith.constant 0 : i32
    %c0_i32_1 = arith.constant 0 : i32
    return %c0_i32, %c0_i32_0 : i32, i32
  }
  func.func @transform_9(%arg0: i32) -> (i32, i32) {
    %c0_i32 = arith.constant 0 : i32
    %c0_i32_0 = arith.constant 0 : i32
    %c0_i32_1 = arith.constant 0 : i32
    return %c0_i32, %c0_i32_0 : i32, i32
  }
}

</mosaic_0001>

<sc_bundles>
// kernel: kernel.10.cloned.1.call-start
scs
__scs_entry_jumppad:
0x0: {  	(pc) =	sbr.rel $0x88, $3  }
0x1: {  	(tag) =	ssettag $0x0;
	lr =	simm.s32 $0x1  }
0x2: {  	[smem:$0x3F93] =	sst lr;
	_ =	strace $0xD0000000  }
0x3: {  	_ = 	snop  }
0x4: {  	_ = 	snop  }
0x5: {  	_ = 	snop  }
0x6: {  	_ = 	snop  }
0x7: {  	_ = 	snop  }
__scs_overlays_trampoline_lowered:
0x8: {  	[smem:$0x3FA2] =	sst s0  }
0x9: {  	[smem:$0x3FA3] =	sst s1  }
0xa: {  	[smem:$0x3FA4] =	sst s2  }
0xb: {  	[smem:$0x3FA5] =	sst s3  }
0xc: {  	[smem:$0x3FA6] =	sst s4  }
0xd: {  	[smem:$0x3FA7] =	sst s5  }
0xe: {  	[smem:$0x3FA8] =	sst s6  }
0xf: {  	[smem:$0x3FA9] =	sst s7  }
0x10: {  	[smem:$0x3FAA] =	sst s8  }
0x11: {  	[smem:$0x3FAB] =	sst s9;
	s0 =	simm.s32 @!p0 $0x0  }
0x12: {  	s1 =	sld [smem:$0x3F91];
	s0 =	simm.s32 @p0 $0x1  }
0x13: {  	[smem:$0x3FAC] =	sst s0;
	s0 =	simm.s32 @!p1 $0x0  }
0x14: {  	s2 =	sld [smem:$0x3F90];
	s0 =	simm.s32 @p1 $0x1  }
0x15: {  	[smem:$0x3FAD] =	sst s0;
	s0 =	simm.s32 @!p2 $0x0  }
0x16: {  	s3 =	sld [smem:$0x3FDB];
	s0 =	simm.s32 @p2 $0x1  }
0x17: {  	s4 =	simm.s32 $0x1BF5;
	[smem:$0x3FAF] =	sst s0  }
0x18: {  	s0 =	sld [smem:$0x3F92];
	_ =	swait.ge [sflag:s4], $0x0  }
0x19: {  	s7 =	sld [smem:$0x3F93]  }
0x1a: {  	s8 =	sadd.s32 $0xFFFFE003, lr  }
0x1b: {  	s9 =	sadd.s32 $0xFFFFFEF7, lr;
	s5 =	simm.s32 $0xFFFFFFFF;
	p2 =	slt.u32 s8, $0xFFFFF086  }
0x1c: {  	p1 =	slt.u32 s9, $0xF7A;
	s5 =	simm.s32 @!p2 $0x0  }
0x1d: {  	s5 =	simm.s32 @p1 $0x1;
	p0 =	seq.s32 s7, s2  }
0x1e: {  	s7 =	smul.u32 @!p0 $0xF7A, s2;
	p2 =	seq.s32 @!p0 s5, $0x0  }
0x1f: {  	s9 =	smul.u32 $0xF7A, s1;
	s8 =	simm.s32 @!p0 $0x1BF5;
	p2 =	por !p2, p0  }
0x20: {  	[sflag:s8] =	ssyncset.s32 @!p0 $0xFFFFF086;
	s6 =	sadd.s32 @!p0 s3, s7;
	s7 =	simm.s32 @!p0 $0x108  }
0x21: {  	s3 =	sadd.s32 s3, s9;
	s6 =	sadd.s32 @!p0 $0x88, s6;
	s7 =	simm.s32 @p2 $0x1082  }
0x22: {  	[simem:s7], [sflag:s8] =	dma.local @!p0 [hbm:s6], $0xF7A  }
0x23: {  	s9 =	sor.u32 $0xD0000000, s2;
	s6 =	simm.s32 $0x108;
	_ =	swait.ge @!p0 [sflag:s8], $0x0  }
0x24: {  	s3 =	sadd.s32 $0x88, s3;
	s6 =	simm.s32 @!p1 $0x1082;
	[sflag:s4] =	ssyncset.s32 $0xFFFFF086  }
0x25: {  	[simem:s6], [sflag:s4] =	dma.local [hbm:s3], $0xF7A  }
0x26: {  	[smem:$0x3F93] =	sst s1;
	(tag) =	ssettag s2;
	_ =	strace s9  }
0x27: {  	s1 =	sld [smem:$0x3FA3]  }
0x28: {  	s2 =	sld [smem:$0x3FA4]  }
0x29: {  	s4 =	sld [smem:$0x3FA6]  }
0x2a: {  	p0 =	seq.s32 s5, $0x0;
	s5 =	sld [smem:$0x3FA7]  }
0x2b: {  	s6 =	sld [smem:$0x3FA8]  }
0x2c: {  	s7 =	sld [smem:$0x3FA9]  }
0x2d: {  	s3 =	simm.s32 $0x108;
	s8 =	sld [smem:$0x3FAA]  }
0x2e: {  	s3 =	simm.s32 @!p0 $0x1082;
	s9 =	sld [smem:$0x3FAB]  }
0x2f: {  	lr =	sadd.s32 s0, s3;
	s0 =	sld [smem:$0x3FA2]  }
0x30: {  	s3 =	sld [smem:$0x3FA5]  }
0x31: {  	[smem:$0x3FAE] =	sst s10  }
0x32: {  	s10 =	sld [smem:$0x3FAC];
	_ =	sdelay $0x3  }
0x33: {  	p0 =	seq.s32 s10, $0x1;
	s10 =	sld [smem:$0x3FAE];
	_ =	sdelay $0x3  }
0x34: {  	[smem:$0x3FAE] =	sst s10  }
0x35: {  	s10 =	sld [smem:$0x3FAD];
	_ =	sdelay $0x3  }
0x36: {  	p1 =	seq.s32 s10, $0x1;
	s10 =	sld [smem:$0x3FAE];
	_ =	sdelay $0x3  }
0x37: {  	[smem:$0x3FAE] =	sst s10  }
0x38: {  	s10 =	sld [smem:$0x3FAF]  }
0x39: {  	_ = 	snop;
	(pc) =	sbr.ind lr, $3  }
0x3a: {  	_ = 	snop  }
0x3b: {  	_ = 	snop  }
0x3c: {  	p2 =	seq.s32 s10, $0x1;
	s10 =	sld [smem:$0x3FAE]  }
0x3d: {  	_ =	shalt  }
0x3e: {  	_ =	shalt  }
0x3f: {  	_ =	shalt  }
0x40: {  	_ =	shalt  }
0x41: {  	_ =	shalt  }
0x42: {  	_ =	shalt  }
0x43: {  	_ =	shalt  }
0x44: {  	_ =	shalt  }
0x45: {  	_ =	shalt  }
0x46: {  	_ =	shalt  }
0x47: {  	_ =	shalt  }
0x48: {  	_ =	shalt  }
0x49: {  	_ =	shalt  }
0x4a: {  	_ =	shalt  }
0x4b: {  	_ =	shalt  }
0x4c: {  	_ =	shalt  }
0x4d: {  	_ =	shalt  }
0x4e: {  	_ =	shalt  }
0x4f: {  	_ =	shalt  }
0x50: {  	_ =	shalt  }
0x51: {  	_ =	shalt  }
0x52: {  	_ =	shalt  }
0x53: {  	_ =	shalt  }
0x54: {  	_ =	shalt  }
0x55: {  	_ =	shalt  }
0x56: {  	_ =	shalt  }
0x57: {  	_ =	shalt  }
0x58: {  	_ =	shalt  }
0x59: {  	_ =	shalt  }
0x5a: {  	_ =	shalt  }
0x5b: {  	_ =	shalt  }
0x5c: {  	_ =	shalt  }
0x5d: {  	_ =	shalt  }
0x5e: {  	_ =	shalt  }
0x5f: {  	_ =	shalt  }
0x60: {  	_ =	shalt  }
0x61: {  	_ =	shalt  }
0x62: {  	_ =	shalt  }
0x63: {  	_ =	shalt  }
0x64: {  	_ =	shalt  }
0x65: {  	_ =	shalt  }
0x66: {  	_ =	shalt  }
0x67: {  	_ =	shalt  }
0x68: {  	_ =	shalt  }
0x69: {  	_ =	shalt  }
0x6a: {  	_ =	shalt  }
0x6b: {  	_ =	shalt  }
0x6c: {  	_ =	shalt  }
0x6d: {  	_ =	shalt  }
0x6e: {  	_ =	shalt  }
0x6f: {  	_ =	shalt  }
0x70: {  	_ =	shalt  }
0x71: {  	_ =	shalt  }
0x72: {  	_ =	shalt  }
0x73: {  	_ =	shalt  }
0x74: {  	_ =	shalt  }
0x75: {  	_ =	shalt  }
0x76: {  	_ =	shalt  }
0x77: {  	_ =	shalt  }
0x78: {  	_ =	shalt  }
0x79: {  	_ =	shalt  }
0x7a: {  	_ =	shalt  }
0x7b: {  	_ =	shalt  }
0x7c: {  	_ =	shalt  }
0x7d: {  	_ =	shalt  }
0x7e: {  	_ =	shalt  }
0x7f: {  	_ =	shalt  }
0x80: {  	_ =	shalt  }
0x81: {  	_ =	shalt  }
0x82: {  	_ =	shalt  }
0x83: {  	_ =	shalt  }
0x84: {  	_ =	shalt  }
0x85: {  	_ =	shalt  }
0x86: {  	_ =	shalt  }
0x87: {  	_ =	shalt  }
.Lfunc_end0:
.L_simem_size_0:
called_computation.1_lowered:
.L_overlay_start_0:
0x88: {  	s2 =	sld [smem:$0x3FD9]  }
0x89: {  	s3 =	sld [smem:$0x3FFE];
	_ =	sdelay $0x1  }
0x8a: {  	s1 =	srdreg.scid  }
0x8b: {  	s0 =	sand.u32 $0x1, s1  }
0x8c: {  	s16 =	sshll.u32 s0, $0xA;
	s2 =	sadd.s32 s3, s2  }
0x8d: {  	s2 =	sadd.s32 s2, s16  }
0x8e: {  	[smem:$0x3FBA] =	sst s2  }
0x8f: {  	_ = 	snop  }
0x90: {  	(tm) =	ssettm $0x1  }
0x91: {  	s17 =	sld [smem:$0x3FFB];
	_ =	sdelay $0x3  }
0x92: {  	_ =	strace s17  }
0x93: {  	s2 =	sld [smem:$0x3FFC];
	_ =	sdelay $0x3  }
0x94: {  	_ =	strace s2  }
0x95: {  	s2 =	sld [smem:$0x3FFD];
	_ =	sdelay $0x3  }
0x96: {  	_ =	strace s2  }
0x97: {  	_ =	strace $0x8FFFFFFF  }
0x98: {  	s18 =	sld [smem:$0x3FDB];
	_ =	sdelay $0x1  }
0x99: {  	s19 =	simm.s32 $_scs_section_size  }
0x9a: {  	s4 =	simm.s32 $_size__tile_overlayer_lowered;
	s5 =	simm.s32 $_tile_overlayer_lowered  }
0x9b: {  	s22 =	simm.s32 $0x1BFF;
	s21 =	sshll.u32 s5, $0x1;
	s2 =	sadd.s32 s19, s18  }
0x9c: {  	s6 =	simm.s32 $0x0;
	s20 =	sshll.u32 s4, $0x1;
	s4 =	sadd.s32 s21, s2  }
0x9d: {  	[timem:s6], [sflag:s22] =	dma.local [hbm:s4], s20  }
0x9e: {  	_ =	swait.ge [sflag:s22], s20  }
0x9f: {  	s3 =	ssub.s32 $0x0, s20;
	[sflag:s22] =	ssyncset.done $0x0  }
0xa0: {  	[sflag:s22] =	ssyncadd.s32 s3;
	_ =	sdelay $0x1  }
0xa1: {  	s23 =	simm.s32 $0x1B8B  }
0xa2: {  	_ =	swait.ge [sflag:s23], $0x1  }
0xa3: {  	[sflag:s23] =	ssyncset.done $0x0  }
0xa4: {  	s25 =	simm.s32 $0x1B8E;
	s24 =	sld [smem:$0x3FFE];
	[sflag:s23] =	ssyncadd.s32 $0xFFFFFFFF  }
0xa5: {  	s26 =	simm.s32 $execute0_lowered;
	[smem:$0x3FD2] =	sst s25  }
0xa6: {  	s4 =	sshll.u32 s26, $0x1;
	_ =	strace $0x80000049;
	[dreg:$0x1] =	wrdreg $0xFFFFFFFF  }
0xa7: {  	s28 =	simm.s32 $_size_execute0_lowered;
	s2 =	sadd.s32 s2, s4;
	[dreg:$0x0] =	wrdreg $0x0  }
0xa8: {  	s4 =	sshll.u32 s28, $0x1;
	[dreg:$0x2] =	wrdreg s2  }
0xa9: {  	[dreg:$0x3] =	wrdreg s4  }
0xaa: {  	[dreg:$0x4] =	wrdreg $0xC0  }
0xab: {  	_ =	task [dreg:s6], $0x5FFFF  }
0xac: {  	[dreg:$0x1] =	wrdreg $0xFFFFFFFF  }
0xad: {  	[dreg:$0x0] =	wrdreg $0x60  }
0xae: {  	[dreg:$0x2] =	wrdreg s24  }
0xaf: {  	[dreg:$0x3] =	wrdreg $0x90000  }
0xb0: {  	[dreg:$0x4] =	wrdreg $0x9  }
0xb1: {  	_ =	task.clear_ibuf [dreg:s6], $0x5FFFF;
	_ =	strace $0x90000049  }
0xb2: {  	s29 =	simm.s32 $0x9;
	_ =	strace $0x8000004B  }
0xb3: {  	_ =	swait.ge [sflag:s29], $0x1  }
0xb4: {  	[sflag:s29] =	ssyncadd.s32 $0xFFFFFFFF  }
0xb5: {  	_ =	strace $0x9000004B  }
0xb6: {  	_ =	sfence  }
0xb7: {  	s30 =	sld [smem:$0x0];
	_ =	sdelay $0x2  }
0xb8: {  	s31 =	sshll.u32 s1, $0xD;
	s1 =	sshrl.u32 s1, $0x2  }
0xb9: {  	s3 =	sand.u32 $0x4000, s31;
	s1 =	sadd.s32 s1, s30  }
0xba: {  	s0 =	sor.u32 s3, s0;
	s1 =	sshll.u32 s1, $0x11  }
0xbb: {  	s0 =	sor.u32 s1, s0  }
0xbc: {  	s0 =	sadd.s32 $0x8F2B, s0  }
0xbd: {  	[sflag:s0] =	ssyncadd.remote.s32 $0x1  }
0xbe: {  	_ =	sfence.sel $0xFFFF  }
0xbf: {  	[dreg:$0x0] =	wrdreg $0xFFFFFFFF;
	(pc) =	sbr.abs _section_cstart, $3  }
0xc0: {  	[dreg:$0x1] =	wrdreg $0xFFFFFFFF  }
0xc1: {  	_ =	task.clear_ibuf [dreg:s6], $0x2FFFF;
	_ =	strace $0x9FFFFFFF  }
0xc2: {  	(tm) =	ssettm $0x7FFFFFFF  }
0xc3: {  	_ =	shalt  }
tec
execute0_lowered:
.L_overlay_start_1:
0x0: {  	(tag) =	ssettag $0x1  }
0x1: {  	s1 =	srdreg.scid;
	s6 =	rddreg [dreg:$0x0]  }
0x2: {  	s0 =	stileid.u32;
	s2 =	rddreg [dreg:$0x1];
	s3 =	simm.s32 $0x0  }
0x3: {  	s14 =	simm.s32 $0x80;
	s15 =	simm.s32 $0x5000;
	s16 =	simm.s32 $0x0  }
0x4: {  	s5 =	sand.u32 $0x1, s1;
	s24 =	sshll.u32 s0, $0x1;
	s9 =	smul.u32 $0x14000, s0  }
0x5: {  	[smem:$0x7FF] =	sst s3;
	s4 =	sadd.s32 $0x1C5C00, s6;
	s28 =	smul.u32 $0x50000, s0  }
0x6: {  	s31 =	sshll.u32 s0, $0x6;
	s1 =	sor.u32 s5, s24;
	s8 =	smul.u32 $0x140000, s5  }
0x7: {  	s26 =	ssub.s32 $0x2, s5;
	s5 =	sadd.s32 $0x16200, s6;
	s7 =	smul.u32 $0x500, s1  }
0x8: {  	s1 =	rddreg [dreg:$0x2];
	_ =	strace $0x8000004A;
	s29 =	sshrl.u32 s26, $0x1  }
0x9: {  	s30 =	sshrl.u32 s28, $0x2;
	s25 =	sadd.s32 s9, s8;
	s12 =	ssub.s32 s26, s29  }
0xa: {  	s13 =	sadd.s32 s30, s2;
	s10 =	sadd.s32 s7, s6;
	s7 =	sshrl.u32 s25, $0x3  }
0xb: {  	s11 =	sadd.s32 s7, s6;
	s6 =	sor.u32 $0x1C01, s31;
	s7 =	sadd.s32 $0x2200, s10  }
0xc: {  	s8 =	sadd.s32 $0xC200, s10;
	s10 =	smax.u32 s12, $0x1;
	s12 =	simm.s32 $0x1  }
0xd: {  	s9 =	sadd.s32 $0x18A00, s11;
	s11 =	sshrl.u32 s13, $0x3;
	s13 =	simm.s32 $0x2800  }
.LBB2_1:
0xe: {  	[spmem:s11], [sflag:s6] =	dma.local [hbm:s5], $0x2800  }
0xf: {  	_ =	swait.ge [sflag:s12], $0x2800  }
0x10: {  	[sflag:s12] =	ssyncset.done $0x0  }
0x11: {  	[sflag:s12] =	ssyncadd.s32 $0xFFFFD800  }
0x12: {  	[bflag:$0x0] =	sbarrier.arrive $0xFFFF  }
0x13: {  	[tilespmem:s3], [sflag:$0x1] =	stream.linear.gather [hbm4b:s7+s3], $0x2800, $0x38;
	[tilespmem:$0x1D000] =	vst v63  }
0x14: {  	_ =	swait.ge [sflag:s12], $0x2800  }
0x15: {  	[sflag:s12] =	ssyncset.done $0x0  }
0x16: {  	[sflag:s12] =	ssyncadd.s32 $0xFFFFD800  }
0x17: {  	[tilespmem:s13], [sflag:$0x1] =	stream.linear.gather [hbm4b:s8+s3], $0x2800, $0x38;
	[tilespmem:$0x1D000] =	vst v63  }
0x18: {  	_ =	swait.ge [sflag:s12], $0x2800  }
0x19: {  	[sflag:s12] =	ssyncset.done $0x0  }
0x1a: {  	s17 =	simm.s32 $0x0;
	[sflag:s12] =	ssyncadd.s32 $0xFFFFD800  }
0x1b: {  	[tilespmem:s15], [sflag:$0x1] =	stream.indirect.gather [hbm4b:s4+s14], $0x80, s17, s14, $0xb8;
	[tilespmem:$0x1D000] =	vst v63  }
0x1c: {  	_ =	swait.ge [sflag:s12], $0x4000  }
0x1d: {  	[sflag:s12] =	ssyncset.done $0x0  }
0x1e: {  	s31 =	simm.s32 $0x2800;
	[sflag:s12] =	ssyncadd.s32 $0xFFFFC000  }
0x1f: {  	[spmem:s2] =	stream.indirect.scatter.add.f32 [tilespmem:s15], [sflag:$0x1], $0x80, s31, s14, $0xb8;
	[tilespmem:$0x1D000] =	vst v63  }
0x20: {  	_ =	swait.ge [sflag:s12], $0x4000  }
0x21: {  	s18 =	simm.s32 $0x400;
	s17 =	simm.s32 $0x200;
	[sflag:s12] =	ssyncset.done $0x0  }
.LBB2_2:
0x22: {  	s19 =	sshra.s32 s17, $0x2  }
0x23: {  	[sflag:s12] =	ssyncadd.s32 $0xFFFFC000;
	s17 =	smov.u32 s18;
	s20 =	sadd.s32 $0x200, s18  }
0x24: {  	[tilespmem:s15], [sflag:$0x1] =	stream.indirect.gather [hbm4b:s4+s14], $0x80, s19, s14, $0xb8;
	[tilespmem:$0x1D000] =	vst v63  }
0x25: {  	p0 =	sne.s32 s18, $0x9E00;
	_ =	swait.ge [sflag:s12], $0x4000  }
.Ltmp0:
0x26: {  	[sflag:s12] =	ssyncset.done $0x0;
	(pc) =	sbr.rel @p0 .LBB2_2-.Ltmp0, $4  }
0x27: {  	s18 =	sadd.s32 $0x2800, s19;
	[sflag:s12] =	ssyncadd.s32 $0xFFFFC000  }
0x28: {  	[spmem:s2] =	stream.indirect.scatter.add.f32 [tilespmem:s15], [sflag:$0x1], $0x80, s18, s14, $0xb8;
	[tilespmem:$0x1D000] =	vst v63  }
0x29: {  	_ =	swait.ge [sflag:s12], $0x4000  }
0x2a: {  	s18 =	smov.u32 s20;
	[sflag:s12] =	ssyncset.done $0x0  }
0x2b: {  	s17 =	sshra.s32 s17, $0x2;
	[sflag:s12] =	ssyncadd.s32 $0xFFFFC000  }
0x2c: {  	[tilespmem:s15], [sflag:$0x1] =	stream.indirect.gather [hbm4b:s4+s14], $0x80, s17, s14, $0xb8;
	[tilespmem:$0x1D000] =	vst v63  }
0x2d: {  	_ =	swait.ge [sflag:s12], $0x4000  }
0x2e: {  	[sflag:s12] =	ssyncset.done $0x0  }
0x2f: {  	s17 =	sadd.s32 $0x2800, s17;
	[sflag:s12] =	ssyncadd.s32 $0xFFFFC000  }
0x30: {  	[spmem:s2] =	stream.indirect.scatter.add.f32 [tilespmem:s15], [sflag:$0x1], $0x80, s17, s14, $0xb8;
	[tilespmem:$0x1D000] =	vst v63  }
0x31: {  	_ =	swait.ge [sflag:s12], $0x4000  }
0x32: {  	s16 =	sadd.s32 $0x1, s16;
	[sflag:s12] =	ssyncset.done $0x0  }
0x33: {  	p0 =	sne.s32 s16, s10;
	[sflag:s12] =	ssyncadd.s32 $0xFFFFC000  }
.Ltmp1:
0x34: {  	[bflag:$0x0] =	sbarrier.arrive $0xFFFF;
	(pc) =	sbr.rel @p0 .LBB2_1-.Ltmp1, $4  }
0x35: {  	[hbm:s9], [sflag:s6] =	dma.local [spmem:s11], $0x2800  }
0x36: {  	_ =	swait.ge [sflag:s12], $0x2800  }
0x37: {  	[sflag:s12] =	ssyncset.done $0x0  }
0x38: {  	[sflag:s12] =	ssyncadd.s32 $0xFFFFD800  }
0x39: {  	_ =	sfence.sel $0x180000  }
0x3a: {  	[bflag:$0x0] =	sbarrier.arrive $0xFFFF  }
0x3b: {  	p0 =	sne.s32 s0, $0x0;
	_ =	strace $0x9000004A  }
0x3c: {  	s0 =	sadd.s32 @!p0 $0x100000, s1;
	[bflag:$0x2] =	sbarrier.arrive $0xFFFF  }
0x3d: {  	[sflag:s0] =	ssyncadd.tile.s32 @!p0 $0x1;
	_ =	shalt  }
.Lfunc_end2:
_tile_overlayer_lowered:
.L_overlay_start_2:
0x3e: {  	(tag) =	ssettag $0x2  }
0x3f: {  	s0 =	rddreg [dreg:$0x0];
	s2 =	stileid.u32  }
0x40: {  	s1 =	rddreg [dreg:$0x1];
	p0 =	sne.s32 s2, $0x0  }
0x41: {  	s3 =	rddreg [dreg:$0x2];
	[bflag:$0x3] =	sbarrier.arrive $0xFFFF;
	s2 =	simm.s32 @!p0 $0x1C01  }
0x42: {  	[timem:s3], [sflag:s2] =	dma.local @!p0 [hbm:s0], s1  }
0x43: {  	s0 =	simm.s32 @!p0 $0x1  }
0x44: {  	_ =	swait.ge @!p0 [sflag:s0], s1  }
0x45: {  	s1 =	ssub.s32 @!p0 $0x0, s1;
	[sflag:s0] =	ssyncset.done @!p0 $0x0  }
0x46: {  	[sflag:s0] =	ssyncadd.s32 @!p0 s1  }
0x47: {  	[bflag:$0x3] =	sbarrier.arrive $0xFFFF  }
0x48: {  	_ =	shalt  }

// kernel: kernel.7.cloned.1.call-start
scs
__scs_entry_jumppad:
0x0: {  	(pc) =	sbr.rel $0x88, $3  }
0x1: {  	(tag) =	ssettag $0x0;
	lr =	simm.s32 $0x1  }
0x2: {  	[smem:$0x3F93] =	sst lr;
	_ =	strace $0xD0000000  }
0x3: {  	_ = 	snop  }
0x4: {  	_ = 	snop  }
0x5: {  	_ = 	snop  }
0x6: {  	_ = 	snop  }
0x7: {  	_ = 	snop  }
__scs_overlays_trampoline_lowered:
0x8: {  	[smem:$0x3FA2] =	sst s0  }
0x9: {  	[smem:$0x3FA3] =	sst s1  }
0xa: {  	[smem:$0x3FA4] =	sst s2  }
0xb: {  	[smem:$0x3FA5] =	sst s3  }
0xc: {  	[smem:$0x3FA6] =	sst s4  }
0xd: {  	[smem:$0x3FA7] =	sst s5  }
0xe: {  	[smem:$0x3FA8] =	sst s6  }
0xf: {  	[smem:$0x3FA9] =	sst s7  }
0x10: {  	[smem:$0x3FAA] =	sst s8  }
0x11: {  	[smem:$0x3FAB] =	sst s9;
	s0 =	simm.s32 @!p0 $0x0  }
0x12: {  	s1 =	sld [smem:$0x3F91];
	s0 =	simm.s32 @p0 $0x1  }
0x13: {  	[smem:$0x3FAC] =	sst s0;
	s0 =	simm.s32 @!p1 $0x0  }
0x14: {  	s2 =	sld [smem:$0x3F90];
	s0 =	simm.s32 @p1 $0x1  }
0x15: {  	[smem:$0x3FAD] =	sst s0;
	s0 =	simm.s32 @!p2 $0x0  }
0x16: {  	s3 =	sld [smem:$0x3FDB];
	s0 =	simm.s32 @p2 $0x1  }
0x17: {  	s4 =	simm.s32 $0x1BF5;
	[smem:$0x3FAF] =	sst s0  }
0x18: {  	s0 =	sld [smem:$0x3F92];
	_ =	swait.ge [sflag:s4], $0x0  }
0x19: {  	s7 =	sld [smem:$0x3F93]  }
0x1a: {  	s8 =	sadd.s32 $0xFFFFE003, lr  }
0x1b: {  	s9 =	sadd.s32 $0xFFFFFEF7, lr;
	s5 =	simm.s32 $0xFFFFFFFF;
	p2 =	slt.u32 s8, $0xFFFFF086  }
0x1c: {  	p1 =	slt.u32 s9, $0xF7A;
	s5 =	simm.s32 @!p2 $0x0  }
0x1d: {  	s5 =	simm.s32 @p1 $0x1;
	p0 =	seq.s32 s7, s2  }
0x1e: {  	s7 =	smul.u32 @!p0 $0xF7A, s2;
	p2 =	seq.s32 @!p0 s5, $0x0  }
0x1f: {  	s9 =	smul.u32 $0xF7A, s1;
	s8 =	simm.s32 @!p0 $0x1BF5;
	p2 =	por !p2, p0  }
0x20: {  	[sflag:s8] =	ssyncset.s32 @!p0 $0xFFFFF086;
	s6 =	sadd.s32 @!p0 s3, s7;
	s7 =	simm.s32 @!p0 $0x108  }
0x21: {  	s3 =	sadd.s32 s3, s9;
	s6 =	sadd.s32 @!p0 $0x88, s6;
	s7 =	simm.s32 @p2 $0x1082  }
0x22: {  	[simem:s7], [sflag:s8] =	dma.local @!p0 [hbm:s6], $0xF7A  }
0x23: {  	s9 =	sor.u32 $0xD0000000, s2;
	s6 =	simm.s32 $0x108;
	_ =	swait.ge @!p0 [sflag:s8], $0x0  }
0x24: {  	s3 =	sadd.s32 $0x88, s3;
	s6 =	simm.s32 @!p1 $0x1082;
	[sflag:s4] =	ssyncset.s32 $0xFFFFF086  }
0x25: {  	[simem:s6], [sflag:s4] =	dma.local [hbm:s3], $0xF7A  }
0x26: {  	[smem:$0x3F93] =	sst s1;
	(tag) =	ssettag s2;
	_ =	strace s9  }
0x27: {  	s1 =	sld [smem:$0x3FA3]  }
0x28: {  	s2 =	sld [smem:$0x3FA4]  }
0x29: {  	s4 =	sld [smem:$0x3FA6]  }
0x2a: {  	p0 =	seq.s32 s5, $0x0;
	s5 =	sld [smem:$0x3FA7]  }
0x2b: {  	s6 =	sld [smem:$0x3FA8]  }
0x2c: {  	s7 =	sld [smem:$0x3FA9]  }
0x2d: {  	s3 =	simm.s32 $0x108;
	s8 =	sld [smem:$0x3FAA]  }
0x2e: {  	s3 =	simm.s32 @!p0 $0x1082;
	s9 =	sld [smem:$0x3FAB]  }
0x2f: {  	lr =	sadd.s32 s0, s3;
	s0 =	sld [smem:$0x3FA2]  }
0x30: {  	s3 =	sld [smem:$0x3FA5]  }
0x31: {  	[smem:$0x3FAE] =	sst s10  }
0x32: {  	s10 =	sld [smem:$0x3FAC];
	_ =	sdelay $0x3  }
0x33: {  	p0 =	seq.s32 s10, $0x1;
	s10 =	sld [smem:$0x3FAE];
	_ =	sdelay $0x3  }
0x34: {  	[smem:$0x3FAE] =	sst s10  }
0x35: {  	s10 =	sld [smem:$0x3FAD];
	_ =	sdelay $0x3  }
0x36: {  	p1 =	seq.s32 s10, $0x1;
	s10 =	sld [smem:$0x3FAE];
	_ =	sdelay $0x3  }
0x37: {  	[smem:$0x3FAE] =	sst s10  }
0x38: {  	s10 =	sld [smem:$0x3FAF]  }
0x39: {  	_ = 	snop;
	(pc) =	sbr.ind lr, $3  }
0x3a: {  	_ = 	snop  }
0x3b: {  	_ = 	snop  }
0x3c: {  	p2 =	seq.s32 s10, $0x1;
	s10 =	sld [smem:$0x3FAE]  }
0x3d: {  	_ =	shalt  }
0x3e: {  	_ =	shalt  }
0x3f: {  	_ =	shalt  }
0x40: {  	_ =	shalt  }
0x41: {  	_ =	shalt  }
0x42: {  	_ =	shalt  }
0x43: {  	_ =	shalt  }
0x44: {  	_ =	shalt  }
0x45: {  	_ =	shalt  }
0x46: {  	_ =	shalt  }
0x47: {  	_ =	shalt  }
0x48: {  	_ =	shalt  }
0x49: {  	_ =	shalt  }
0x4a: {  	_ =	shalt  }
0x4b: {  	_ =	shalt  }
0x4c: {  	_ =	shalt  }
0x4d: {  	_ =	shalt  }
0x4e: {  	_ =	shalt  }
0x4f: {  	_ =	shalt  }
0x50: {  	_ =	shalt  }
0x51: {  	_ =	shalt  }
0x52: {  	_ =	shalt  }
0x53: {  	_ =	shalt  }
0x54: {  	_ =	shalt  }
0x55: {  	_ =	shalt  }
0x56: {  	_ =	shalt  }
0x57: {  	_ =	shalt  }
0x58: {  	_ =	shalt  }
0x59: {  	_ =	shalt  }
0x5a: {  	_ =	shalt  }
0x5b: {  	_ =	shalt  }
0x5c: {  	_ =	shalt  }
0x5d: {  	_ =	shalt  }
0x5e: {  	_ =	shalt  }
0x5f: {  	_ =	shalt  }
0x60: {  	_ =	shalt  }
0x61: {  	_ =	shalt  }
0x62: {  	_ =	shalt  }
0x63: {  	_ =	shalt  }
0x64: {  	_ =	shalt  }
0x65: {  	_ =	shalt  }
0x66: {  	_ =	shalt  }
0x67: {  	_ =	shalt  }
0x68: {  	_ =	shalt  }
0x69: {  	_ =	shalt  }
0x6a: {  	_ =	shalt  }
0x6b: {  	_ =	shalt  }
0x6c: {  	_ =	shalt  }
0x6d: {  	_ =	shalt  }
0x6e: {  	_ =	shalt  }
0x6f: {  	_ =	shalt  }
0x70: {  	_ =	shalt  }
0x71: {  	_ =	shalt  }
0x72: {  	_ =	shalt  }
0x73: {  	_ =	shalt  }
0x74: {  	_ =	shalt  }
0x75: {  	_ =	shalt  }
0x76: {  	_ =	shalt  }
0x77: {  	_ =	shalt  }
0x78: {  	_ =	shalt  }
0x79: {  	_ =	shalt  }
0x7a: {  	_ =	shalt  }
0x7b: {  	_ =	shalt  }
0x7c: {  	_ =	shalt  }
0x7d: {  	_ =	shalt  }
0x7e: {  	_ =	shalt  }
0x7f: {  	_ =	shalt  }
0x80: {  	_ =	shalt  }
0x81: {  	_ =	shalt  }
0x82: {  	_ =	shalt  }
0x83: {  	_ =	shalt  }
0x84: {  	_ =	shalt  }
0x85: {  	_ =	shalt  }
0x86: {  	_ =	shalt  }
0x87: {  	_ =	shalt  }
.Lfunc_end0:
.L_simem_size_0:
called_computation_lowered:
.L_overlay_start_0:
0x88: {  	s2 =	sld [smem:$0x3FD9]  }
0x89: {  	s3 =	sld [smem:$0x3FFE];
	_ =	sdelay $0x1  }
0x8a: {  	s1 =	srdreg.scid  }
0x8b: {  	s0 =	sand.u32 $0x1, s1  }
0x8c: {  	s16 =	sshll.u32 s0, $0xA;
	s2 =	sadd.s32 s3, s2  }
0x8d: {  	s2 =	sadd.s32 s2, s16  }
0x8e: {  	[smem:$0x3FBA] =	sst s2  }
0x8f: {  	_ = 	snop  }
0x90: {  	(tm) =	ssettm $0x1  }
0x91: {  	s17 =	sld [smem:$0x3FFB];
	_ =	sdelay $0x3  }
0x92: {  	_ =	strace s17  }
0x93: {  	s2 =	sld [smem:$0x3FFC];
	_ =	sdelay $0x3  }
0x94: {  	_ =	strace s2  }
0x95: {  	s2 =	sld [smem:$0x3FFD];
	_ =	sdelay $0x3  }
0x96: {  	_ =	strace s2  }
0x97: {  	_ =	strace $0x8FFFFFFF  }
0x98: {  	s18 =	sld [smem:$0x3FDB];
	_ =	sdelay $0x1  }
0x99: {  	s19 =	simm.s32 $_scs_section_size  }
0x9a: {  	s4 =	simm.s32 $_size__tile_overlayer_lowered;
	s5 =	simm.s32 $_tile_overlayer_lowered  }
0x9b: {  	s22 =	simm.s32 $0x1BFF;
	s21 =	sshll.u32 s5, $0x1;
	s2 =	sadd.s32 s19, s18  }
0x9c: {  	s6 =	simm.s32 $0x0;
	s20 =	sshll.u32 s4, $0x1;
	s4 =	sadd.s32 s21, s2  }
0x9d: {  	[timem:s6], [sflag:s22] =	dma.local [hbm:s4], s20  }
0x9e: {  	_ =	swait.ge [sflag:s22], s20  }
0x9f: {  	s3 =	ssub.s32 $0x0, s20;
	[sflag:s22] =	ssyncset.done $0x0  }
0xa0: {  	[sflag:s22] =	ssyncadd.s32 s3;
	_ =	sdelay $0x1  }
0xa1: {  	s23 =	simm.s32 $0x1B8B  }
0xa2: {  	_ =	swait.ge [sflag:s23], $0x1  }
0xa3: {  	[sflag:s23] =	ssyncset.done $0x0  }
0xa4: {  	s25 =	simm.s32 $0x1B8E;
	s24 =	sld [smem:$0x3FFE];
	[sflag:s23] =	ssyncadd.s32 $0xFFFFFFFF  }
0xa5: {  	s26 =	simm.s32 $execute0_lowered;
	[smem:$0x3FD2] =	sst s25  }
0xa6: {  	s4 =	sshll.u32 s26, $0x1;
	_ =	strace $0x80000046;
	[dreg:$0x1] =	wrdreg $0xFFFFFFFF  }
0xa7: {  	s28 =	simm.s32 $_size_execute0_lowered;
	s2 =	sadd.s32 s2, s4;
	[dreg:$0x0] =	wrdreg $0x0  }
0xa8: {  	s4 =	sshll.u32 s28, $0x1;
	[dreg:$0x2] =	wrdreg s2  }
0xa9: {  	[dreg:$0x3] =	wrdreg s4  }
0xaa: {  	[dreg:$0x4] =	wrdreg $0xC0  }
0xab: {  	_ =	task [dreg:s6], $0x5FFFF  }
0xac: {  	[dreg:$0x1] =	wrdreg $0xFFFFFFFF  }
0xad: {  	[dreg:$0x0] =	wrdreg $0x60  }
0xae: {  	[dreg:$0x2] =	wrdreg s24  }
0xaf: {  	[dreg:$0x3] =	wrdreg $0x90000  }
0xb0: {  	[dreg:$0x4] =	wrdreg $0x9  }
0xb1: {  	_ =	task.clear_ibuf [dreg:s6], $0x5FFFF;
	_ =	strace $0x90000046  }
0xb2: {  	s29 =	simm.s32 $0x9;
	_ =	strace $0x80000048  }
0xb3: {  	_ =	swait.ge [sflag:s29], $0x1  }
0xb4: {  	[sflag:s29] =	ssyncadd.s32 $0xFFFFFFFF  }
0xb5: {  	_ =	strace $0x90000048  }
0xb6: {  	_ =	sfence  }
0xb7: {  	s30 =	sld [smem:$0x0];
	_ =	sdelay $0x2  }
0xb8: {  	s31 =	sshll.u32 s1, $0xD;
	s1 =	sshrl.u32 s1, $0x2  }
0xb9: {  	s3 =	sand.u32 $0x4000, s31;
	s1 =	sadd.s32 s1, s30  }
0xba: {  	s0 =	sor.u32 s3, s0;
	s1 =	sshll.u32 s1, $0x11  }
0xbb: {  	s0 =	sor.u32 s1, s0  }
0xbc: {  	s0 =	sadd.s32 $0x8F2B, s0  }
0xbd: {  	[sflag:s0] =	ssyncadd.remote.s32 $0x1  }
0xbe: {  	_ =	sfence.sel $0xFFFF  }
0xbf: {  	[dreg:$0x0] =	wrdreg $0xFFFFFFFF;
	(pc) =	sbr.abs _section_cstart, $3  }
0xc0: {  	[dreg:$0x1] =	wrdreg $0xFFFFFFFF  }
0xc1: {  	_ =	task.clear_ibuf [dreg:s6], $0x2FFFF;
	_ =	strace $0x9FFFFFFF  }
0xc2: {  	(tm) =	ssettm $0x7FFFFFFF  }
0xc3: {  	_ =	shalt  }
tec
execute0_lowered:
.L_overlay_start_1:
0x0: {  	(tag) =	ssettag $0x1  }
0x1: {  	s1 =	srdreg.scid;
	s6 =	rddreg [dreg:$0x0]  }
0x2: {  	s0 =	stileid.u32;
	s2 =	rddreg [dreg:$0x1];
	s3 =	simm.s32 $0x0  }
0x3: {  	s14 =	simm.s32 $0x80;
	s15 =	simm.s32 $0x5000;
	s16 =	simm.s32 $0x0  }
0x4: {  	s5 =	sand.u32 $0x1, s1;
	s24 =	sshll.u32 s0, $0x1;
	s9 =	smul.u32 $0x14000, s0  }
0x5: {  	[smem:$0x7FF] =	sst s3;
	s4 =	sadd.s32 $0x3D400, s6;
	s28 =	smul.u32 $0x50000, s0  }
0x6: {  	s31 =	sshll.u32 s0, $0x6;
	s1 =	sor.u32 s5, s24;
	s8 =	smul.u32 $0x140000, s5  }
0x7: {  	s26 =	ssub.s32 $0x2, s5;
	s5 =	sadd.s32 $0x16200, s6;
	s7 =	smul.u32 $0x500, s1  }
0x8: {  	s1 =	rddreg [dreg:$0x2];
	_ =	strace $0x80000047;
	s29 =	sshrl.u32 s26, $0x1  }
0x9: {  	s30 =	sshrl.u32 s28, $0x2;
	s25 =	sadd.s32 s9, s8;
	s12 =	ssub.s32 s26, s29  }
0xa: {  	s13 =	sadd.s32 s30, s2;
	s10 =	sadd.s32 s7, s6;
	s7 =	sshrl.u32 s25, $0x3  }
0xb: {  	s11 =	sadd.s32 s7, s6;
	s6 =	sor.u32 $0x1C01, s31;
	s7 =	sadd.s32 $0x2200, s10  }
0xc: {  	s8 =	sadd.s32 $0xC200, s10;
	s10 =	smax.u32 s12, $0x1;
	s12 =	simm.s32 $0x1  }
0xd: {  	s9 =	sadd.s32 $0x175C00, s11;
	s11 =	sshrl.u32 s13, $0x3;
	s13 =	simm.s32 $0x2800  }
.LBB2_1:
0xe: {  	[spmem:s11], [sflag:s6] =	dma.local [hbm:s5], $0x2800  }
0xf: {  	_ =	swait.ge [sflag:s12], $0x2800  }
0x10: {  	[sflag:s12] =	ssyncset.done $0x0  }
0x11: {  	[sflag:s12] =	ssyncadd.s32 $0xFFFFD800  }
0x12: {  	[bflag:$0x0] =	sbarrier.arrive $0xFFFF  }
0x13: {  	[tilespmem:s3], [sflag:$0x1] =	stream.linear.gather [hbm4b:s7+s3], $0x2800, $0x38;
	[tilespmem:$0x1D000] =	vst v63  }
0x14: {  	_ =	swait.ge [sflag:s12], $0x2800  }
0x15: {  	[sflag:s12] =	ssyncset.done $0x0  }
0x16: {  	[sflag:s12] =	ssyncadd.s32 $0xFFFFD800  }
0x17: {  	[tilespmem:s13], [sflag:$0x1] =	stream.linear.gather [hbm4b:s8+s3], $0x2800, $0x38;
	[tilespmem:$0x1D000] =	vst v63  }
0x18: {  	_ =	swait.ge [sflag:s12], $0x2800  }
0x19: {  	[sflag:s12] =	ssyncset.done $0x0  }
0x1a: {  	s17 =	simm.s32 $0x0;
	[sflag:s12] =	ssyncadd.s32 $0xFFFFD800  }
0x1b: {  	[tilespmem:s15], [sflag:$0x1] =	stream.indirect.gather [hbm4b:s4+s14], $0x80, s17, s14, $0xb8;
	[tilespmem:$0x1D000] =	vst v63  }
0x1c: {  	_ =	swait.ge [sflag:s12], $0x4000  }
0x1d: {  	[sflag:s12] =	ssyncset.done $0x0  }
0x1e: {  	s31 =	simm.s32 $0x2800;
	[sflag:s12] =	ssyncadd.s32 $0xFFFFC000  }
0x1f: {  	[spmem:s2] =	stream.indirect.scatter.add.f32 [tilespmem:s15], [sflag:$0x1], $0x80, s31, s14, $0xb8;
	[tilespmem:$0x1D000] =	vst v63  }
0x20: {  	_ =	swait.ge [sflag:s12], $0x4000  }
0x21: {  	s18 =	simm.s32 $0x400;
	s17 =	simm.s32 $0x200;
	[sflag:s12] =	ssyncset.done $0x0  }
.LBB2_2:
0x22: {  	s19 =	sshra.s32 s17, $0x2  }
0x23: {  	[sflag:s12] =	ssyncadd.s32 $0xFFFFC000;
	s17 =	smov.u32 s18;
	s20 =	sadd.s32 $0x200, s18  }
0x24: {  	[tilespmem:s15], [sflag:$0x1] =	stream.indirect.gather [hbm4b:s4+s14], $0x80, s19, s14, $0xb8;
	[tilespmem:$0x1D000] =	vst v63  }
0x25: {  	p0 =	sne.s32 s18, $0x9E00;
	_ =	swait.ge [sflag:s12], $0x4000  }
.Ltmp0:
0x26: {  	[sflag:s12] =	ssyncset.done $0x0;
	(pc) =	sbr.rel @p0 .LBB2_2-.Ltmp0, $4  }
0x27: {  	s18 =	sadd.s32 $0x2800, s19;
	[sflag:s12] =	ssyncadd.s32 $0xFFFFC000  }
0x28: {  	[spmem:s2] =	stream.indirect.scatter.add.f32 [tilespmem:s15], [sflag:$0x1], $0x80, s18, s14, $0xb8;
	[tilespmem:$0x1D000] =	vst v63  }
0x29: {  	_ =	swait.ge [sflag:s12], $0x4000  }
0x2a: {  	s18 =	smov.u32 s20;
	[sflag:s12] =	ssyncset.done $0x0  }
0x2b: {  	s17 =	sshra.s32 s17, $0x2;
	[sflag:s12] =	ssyncadd.s32 $0xFFFFC000  }
0x2c: {  	[tilespmem:s15], [sflag:$0x1] =	stream.indirect.gather [hbm4b:s4+s14], $0x80, s17, s14, $0xb8;
	[tilespmem:$0x1D000] =	vst v63  }
0x2d: {  	_ =	swait.ge [sflag:s12], $0x4000  }
0x2e: {  	[sflag:s12] =	ssyncset.done $0x0  }
0x2f: {  	s17 =	sadd.s32 $0x2800, s17;
	[sflag:s12] =	ssyncadd.s32 $0xFFFFC000  }
0x30: {  	[spmem:s2] =	stream.indirect.scatter.add.f32 [tilespmem:s15], [sflag:$0x1], $0x80, s17, s14, $0xb8;
	[tilespmem:$0x1D000] =	vst v63  }
0x31: {  	_ =	swait.ge [sflag:s12], $0x4000  }
0x32: {  	s16 =	sadd.s32 $0x1, s16;
	[sflag:s12] =	ssyncset.done $0x0  }
0x33: {  	p0 =	sne.s32 s16, s10;
	[sflag:s12] =	ssyncadd.s32 $0xFFFFC000  }
.Ltmp1:
0x34: {  	[bflag:$0x0] =	sbarrier.arrive $0xFFFF;
	(pc) =	sbr.rel @p0 .LBB2_1-.Ltmp1, $4  }
0x35: {  	[hbm:s9], [sflag:s6] =	dma.local [spmem:s11], $0x2800  }
0x36: {  	_ =	swait.ge [sflag:s12], $0x2800  }
0x37: {  	[sflag:s12] =	ssyncset.done $0x0  }
0x38: {  	[sflag:s12] =	ssyncadd.s32 $0xFFFFD800  }
0x39: {  	_ =	sfence.sel $0x180000  }
0x3a: {  	[bflag:$0x0] =	sbarrier.arrive $0xFFFF  }
0x3b: {  	p0 =	sne.s32 s0, $0x0;
	_ =	strace $0x90000047  }
0x3c: {  	s0 =	sadd.s32 @!p0 $0x100000, s1;
	[bflag:$0x2] =	sbarrier.arrive $0xFFFF  }
0x3d: {  	[sflag:s0] =	ssyncadd.tile.s32 @!p0 $0x1;
	_ =	shalt  }
.Lfunc_end2:
_tile_overlayer_lowered:
.L_overlay_start_2:
0x3e: {  	(tag) =	ssettag $0x2  }
0x3f: {  	s0 =	rddreg [dreg:$0x0];
	s2 =	stileid.u32  }
0x40: {  	s1 =	rddreg [dreg:$0x1];
	p0 =	sne.s32 s2, $0x0  }
0x41: {  	s3 =	rddreg [dreg:$0x2];
	[bflag:$0x3] =	sbarrier.arrive $0xFFFF;
	s2 =	simm.s32 @!p0 $0x1C01  }
0x42: {  	[timem:s3], [sflag:s2] =	dma.local @!p0 [hbm:s0], s1  }
0x43: {  	s0 =	simm.s32 @!p0 $0x1  }
0x44: {  	_ =	swait.ge @!p0 [sflag:s0], s1  }
0x45: {  	s1 =	ssub.s32 @!p0 $0x0, s1;
	[sflag:s0] =	ssyncset.done @!p0 $0x0  }
0x46: {  	[sflag:s0] =	ssyncadd.s32 @!p0 s1  }
0x47: {  	[bflag:$0x3] =	sbarrier.arrive $0xFFFF  }
0x48: {  	_ =	shalt  }

</sc_bundles>
